<compile_context>
chip_gen: v7x
topology: tpu7x:2x2x1
jax: 0.10.2.dev20260603
libtpu: 0.0.44.dev20260713+nightly
codegen_flags: <defaults>
</compile_context>

<pallas_src>
import jax
import jax.numpy as jnp
from jax import lax
from jax.experimental import pallas as pl
from jax.experimental.pallas import tpu as pltpu
from jax.experimental.pallas import tpu_sc as plsc

N_NODES = 100000
MEM_DIM = 128
BATCH = 16384

L = 16
NT = 32
SZ = N_NODES // NT
W_PAD = ((SZ + L - 1) // L) * L
CH = 64


def _sc_body(idx_hbm, incret_hbm, inc_hbm, sqr_hbm, out_ref,
             idx_buf, owned_pos, wtab, win_idx, win_pos,
             idxchunk, idxnchunk, poschunk, buf0, buf1, buf2,
             idxchunk2, idxnchunk2, poschunk2, buf0b, buf1b, buf2b,
             sem_g, sem_s, sem_g2, sem_s2):
    cid = lax.axis_index("c")
    sid = lax.axis_index("s")
    wid = sid * 2 + cid
    base = wid * SZ

    pltpu.sync_copy(idx_hbm, idx_buf)

    def _init(j, _):
        wtab[pl.ds(j * L, L)] = jnp.full((L,), -1, jnp.int32)
        return 0
    lax.fori_loop(0, W_PAD // L, _init, 0)

    def _pass_a(j, cnt):
        v = idx_buf[pl.ds(j * L, L)]
        m = (v >= base) & (v < base + SZ)
        mi = m.astype(jnp.int32)
        s = plsc.cumsum(mi)
        off = cnt + s - 1
        posv = j * L + lax.iota(jnp.int32, L)
        plsc.store_scatter(owned_pos, [off], posv, mask=m)
        return cnt + s[15]
    cnt = lax.fori_loop(0, BATCH // L, _pass_a, jnp.int32(0))

    def _pass_b(j, _):
        valid = j * L + lax.iota(jnp.int32, L) < cnt
        p = owned_pos[pl.ds(j * L, L)]
        v = plsc.load_gather(idx_buf, [p], mask=valid)
        local = v - base
        _, lastm = plsc.scan_count(local, mask=valid)
        plsc.store_scatter(wtab, [local], p, mask=lastm & valid)
        return 0
    lax.fori_loop(0, (cnt + L - 1) // L, _pass_b, 0)

    def _pass_c(j, wcnt):
        w = wtab[pl.ds(j * L, L)]
        m = w >= 0
        mi = m.astype(jnp.int32)
        s = plsc.cumsum(mi)
        off = wcnt + s - 1
        nodev = base + j * L + lax.iota(jnp.int32, L)
        plsc.store_scatter(win_idx, [off], nodev, mask=m)
        plsc.store_scatter(win_pos, [off], w, mask=m)
        return wcnt + s[15]
    wcnt = lax.fori_loop(0, W_PAD // L, _pass_c, jnp.int32(0))

    nch = (wcnt + CH - 1) // CH

    @pl.when(wcnt > 0)
    def _pad():
        def _fill(j, _):
            inds = wcnt + j * L + lax.iota(jnp.int32, L)
            m = inds < nch * CH
            srcs = (inds - wcnt) % wcnt
            nv = plsc.load_gather(win_idx, [srcs], mask=m)
            pv = plsc.load_gather(win_pos, [srcs], mask=m)
            plsc.store_scatter(win_idx, [inds], nv, mask=m)
            plsc.store_scatter(win_pos, [inds], pv, mask=m)
            return 0
        lax.fori_loop(0, CH // L, _fill, 0)

    def _stage(ci, idxc, idxnc, posc):
        cb = ci * CH

        def _st(k, _):
            v = win_idx[pl.ds(cb + k * L, L)]
            idxc[pl.ds(k * L, L)] = v
            idxnc[pl.ds(k * L, L)] = v + N_NODES
            posc[pl.ds(k * L, L)] = win_pos[pl.ds(cb + k * L, L)]
            return 0
        lax.fori_loop(0, CH // L, _st, 0)

    def _issue_gathers(idxc, posc, b0, b1, b2, sg):
        pltpu.async_copy(inc_hbm.at[idxc], b0, sg)
        pltpu.async_copy(sqr_hbm.at[idxc], b1, sg)
        pltpu.async_copy(incret_hbm.at[posc], b2, sg)

    def _wait_gathers(idxc, posc, b0, b1, b2, sg):
        pltpu.make_async_copy(inc_hbm.at[idxc], b0, sg).wait()
        pltpu.make_async_copy(sqr_hbm.at[idxc], b1, sg).wait()
        pltpu.make_async_copy(incret_hbm.at[posc], b2, sg).wait()

    def _compute(b0, b1, b2):
        @plsc.parallel_loop(0, CH * (MEM_DIM // L), unroll=4)
        def _c(q):
            r = q // (MEM_DIM // L)
            k = q % (MEM_DIM // L)
            t = b2[r, pl.ds(k * L, L)]
            b0[r, pl.ds(k * L, L)] = b0[r, pl.ds(k * L, L)] + (t + 1.0)
            b1[r, pl.ds(k * L, L)] = b1[r, pl.ds(k * L, L)] + t * t

    def _issue_scatters(idxc, idxnc, b0, b1, ss):
        pltpu.async_copy(b0, out_ref.at[idxc], ss)
        pltpu.async_copy(b1, out_ref.at[idxnc], ss)

    def _wait_scatters(idxc, idxnc, b0, b1, ss):
        pltpu.make_async_copy(b0, out_ref.at[idxc], ss).wait()
        pltpu.make_async_copy(b1, out_ref.at[idxnc], ss).wait()

    set_a = (idxchunk, idxnchunk, poschunk, buf0, buf1, buf2, sem_g, sem_s)
    set_b = (idxchunk2, idxnchunk2, poschunk2, buf0b, buf1b, buf2b,
             sem_g2, sem_s2)

    @pl.when(nch > 0)
    def _prolog():
        _stage(0, idxchunk, idxnchunk, poschunk)
        _issue_gathers(idxchunk, poschunk, buf0, buf1, buf2, sem_g)

    def _chunk(ci, _):
        def _iter(cur, nxt):
            ic, inc_, pc, b0, b1, b2, sg, ss = cur
            ic2, inc2, pc2, b0n, b1n, b2n, sg2, ss2 = nxt

            @pl.when(ci + 1 < nch)
            def _prefetch():
                @pl.when(ci >= 1)
                def _drain_prev():
                    _wait_scatters(ic2, inc2, b0n, b1n, ss2)
                _stage(ci + 1, ic2, inc2, pc2)
                _issue_gathers(ic2, pc2, b0n, b1n, b2n, sg2)

            _wait_gathers(ic, pc, b0, b1, b2, sg)
            _compute(b0, b1, b2)
            _issue_scatters(ic, inc_, b0, b1, ss)

        @pl.when(ci % 2 == 0)
        def _even():
            _iter(set_a, set_b)

        @pl.when(ci % 2 == 1)
        def _odd():
            _iter(set_b, set_a)
        return 0
    lax.fori_loop(0, nch, _chunk, 0)

    def _drain(p):
        @pl.when(p % 2 == 0)
        def _a():
            _wait_scatters(idxchunk, idxnchunk, buf0, buf1, sem_s)

        @pl.when(p % 2 == 1)
        def _b():
            _wait_scatters(idxchunk2, idxnchunk2, buf0b, buf1b, sem_s2)

    @pl.when(nch > 0)
    def _ep1():
        _drain(nch - 1)

    @pl.when(nch > 1)
    def _ep2():
        _drain(nch - 2)


@jax.jit
def _sc_call(node_idxs, incret, incretment, incretment_sqr):
    mesh = plsc.VectorSubcoreMesh(core_axis_name="c", subcore_axis_name="s",
                                  num_cores=2, num_subcores=16)
    f = pl.kernel(
        _sc_body,
        out_type=(),
        mesh=mesh,
        compiler_params=pltpu.CompilerParams(needs_layout_passes=False),
        scratch_types=[
            pltpu.VMEM((BATCH,), jnp.int32),
            pltpu.VMEM((BATCH,), jnp.int32),
            pltpu.VMEM((W_PAD,), jnp.int32),
            pltpu.VMEM((BATCH,), jnp.int32),
            pltpu.VMEM((BATCH,), jnp.int32),
            pltpu.VMEM((CH,), jnp.int32),
            pltpu.VMEM((CH,), jnp.int32),
            pltpu.VMEM((CH,), jnp.int32),
            pltpu.VMEM((CH, MEM_DIM), jnp.float32),
            pltpu.VMEM((CH, MEM_DIM), jnp.float32),
            pltpu.VMEM((CH, MEM_DIM), jnp.float32),
            pltpu.VMEM((CH,), jnp.int32),
            pltpu.VMEM((CH,), jnp.int32),
            pltpu.VMEM((CH,), jnp.int32),
            pltpu.VMEM((CH, MEM_DIM), jnp.float32),
            pltpu.VMEM((CH, MEM_DIM), jnp.float32),
            pltpu.VMEM((CH, MEM_DIM), jnp.float32),
            pltpu.SemaphoreType.DMA,
            pltpu.SemaphoreType.DMA,
            pltpu.SemaphoreType.DMA,
            pltpu.SemaphoreType.DMA,
        ],
    )
    out = jax.new_ref(
        jnp.concatenate([incretment, incretment_sqr], axis=0))
    f(node_idxs, incret, incretment, incretment_sqr, out)
    return out[...]


def kernel(node_idxs, incret, incretment, incretment_sqr):
    out = _sc_call(node_idxs.astype(jnp.int32), incret,
                   incretment, incretment_sqr)
    return out.reshape(2, N_NODES, MEM_DIM)

# --- scband reference (transcript-rebuilt; emitter-appended) ---
"""Pipeline reference for scband-filter-71210557768250 (READ-ONLY COPY).

The authoritative reference and input builder live on the scoring server;
editing this copy changes nothing except your own understanding.
"""

import jax, jax.numpy as jnp
import numpy as np

N_NODES = 100000
MEM_DIM = 128
BATCH = 16384


def setup_inputs(seed: int = 0) -> dict:
    key = jax.random.key(seed)
    k1, k2 = jax.random.split(key, 2)
    node_idxs = jax.random.randint(k1, (BATCH,), 0, N_NODES, dtype=jnp.int64 if jax.config.jax_enable_x64 else jnp.int32)
    incret = jax.random.normal(k2, (BATCH, MEM_DIM), dtype=jnp.float32)
    # Filter state (nn.Parameters with requires_grad=False), initialized to zeros per __init_filter__
    incretment = jnp.zeros((N_NODES, MEM_DIM), dtype=jnp.float32)
    incretment_sqr = jnp.zeros((N_NODES, MEM_DIM), dtype=jnp.float32)
    return {"node_idxs": node_idxs, "incret": incret, "incretment": incretment, "incretment_sqr": incretment_sqr}


def reference(node_idxs, incret, incretment, incretment_sqr):
    # Faithful translation of Filter.update:
    #   self.incretment[node_idxs, :] = self.incretment[node_idxs, :] + 1
    #   self.incretment[node_idxs, :] = self.incretment[node_idxs, :] + incret
    #   self.incretment_sqr[node_idxs, :] = self.incretment_sqr[node_idxs, :] + incret * incret
    # Torch advanced-index assignment is gather-then-overwrite (last write wins on duplicates),
    # which maps to jnp .at[idx].set(gathered + delta).
    inc = incretment.at[node_idxs].set(incretment[node_idxs] + 1.0)
    inc = inc.at[node_idxs].set(inc[node_idxs] + incret)
    sqr = incretment_sqr.at[node_idxs].set(incretment_sqr[node_idxs] + incret * incret)
    return jnp.stack([inc, sqr])

if __name__ == "__main__":
    import jax
    _d = setup_inputs()
    print(jax.jit(kernel)(*tuple(_d.values())))

</pallas_src>

<mosaic_0001>
#map = affine_map<(d0, d1) -> (0)>
#map1 = affine_map<(d0, d1) -> (0, 0)>
module attributes {stable_mosaic.version = 14 : i64} {
  func.func @new_body(%arg0: i32, %arg1: i32, %arg2: memref<16384xi32, #tpu.memory_space<hbm>>, %arg3: memref<16384x128xf32, #tpu.memory_space<hbm>>, %arg4: memref<100000x128xf32, #tpu.memory_space<hbm>>, %arg5: memref<100000x128xf32, #tpu.memory_space<hbm>>, %arg6: memref<200000x128xf32, #tpu.memory_space<hbm>>, %arg7: memref<200000x128xf32, #tpu.memory_space<hbm>>, %arg8: memref<16384xi32, #tpu.memory_space<vmem>>, %arg9: memref<16384xi32, #tpu.memory_space<vmem>>, %arg10: memref<3136xi32, #tpu.memory_space<vmem>>, %arg11: memref<16384xi32, #tpu.memory_space<vmem>>, %arg12: memref<16384xi32, #tpu.memory_space<vmem>>, %arg13: memref<64xi32, #tpu.memory_space<vmem>>, %arg14: memref<64xi32, #tpu.memory_space<vmem>>, %arg15: memref<64xi32, #tpu.memory_space<vmem>>, %arg16: memref<64x128xf32, #tpu.memory_space<vmem>>, %arg17: memref<64x128xf32, #tpu.memory_space<vmem>>, %arg18: memref<64x128xf32, #tpu.memory_space<vmem>>, %arg19: memref<64xi32, #tpu.memory_space<vmem>>, %arg20: memref<64xi32, #tpu.memory_space<vmem>>, %arg21: memref<64xi32, #tpu.memory_space<vmem>>, %arg22: memref<64x128xf32, #tpu.memory_space<vmem>>, %arg23: memref<64x128xf32, #tpu.memory_space<vmem>>, %arg24: memref<64x128xf32, #tpu.memory_space<vmem>>, %arg25: memref<!tpu.dma_semaphore, #tpu.memory_space<semaphore_mem>>, %arg26: memref<!tpu.dma_semaphore, #tpu.memory_space<semaphore_mem>>, %arg27: memref<!tpu.dma_semaphore, #tpu.memory_space<semaphore_mem>>, %arg28: memref<!tpu.dma_semaphore, #tpu.memory_space<semaphore_mem>>) attributes {dimension_semantics = [#tpu.dimension_semantics<core_parallel>, #tpu.dimension_semantics<subcore_parallel>], iteration_bounds = array<i64: 2, 16>, scalar_prefetch = 0 : i64, scratch_operands = 21 : i64, tpu.core_type = #tpu.core_type<sc_vector_subcore>, window_params = [{transform_indices = #map}, {transform_indices = #map1}, {transform_indices = #map1}, {transform_indices = #map1}, {transform_indices = #map1}, {transform_indices = #map1}]} {
    %mul3A = arith.constant 2 : i32
    %mul3A_0 = arith.muli %arg1, %mul3A : i32
    %add3A = arith.addi %mul3A_0, %arg0 : i32
    %mul3A_1 = arith.constant 3125 : i32
    %mul3A_2 = arith.muli %add3A, %mul3A_1 : i32
    "tpu.region"() ({
      %run_scoped3A = tpu.sem_alloc : memref<!tpu.dma_semaphore, #tpu.memory_space<semaphore_mem>>
      tpu.enqueue_dma source(%arg2 : memref<16384xi32, #tpu.memory_space<hbm>>) target(%arg8 : memref<16384xi32, #tpu.memory_space<vmem>>) target_semaphore(%run_scoped3A : memref<!tpu.dma_semaphore, #tpu.memory_space<semaphore_mem>>)
      tpu.wait_dma2 semaphore(%run_scoped3A : memref<!tpu.dma_semaphore, #tpu.memory_space<semaphore_mem>>) src(%arg2 : memref<16384xi32, #tpu.memory_space<hbm>>) dst(%arg8 : memref<16384xi32, #tpu.memory_space<vmem>>)
      tpu.yield
    }) : () -> ()
    %scan3A = arith.constant 0 : i32
    %scan3A_3 = arith.constant 0 : i32
    %scan3A_4 = arith.constant 196 : i32
    %scan3A_5 = arith.addi %scan3A_3, %scan3A_4 : i32
    %scan3A_6 = arith.constant 1 : i32
    %scan3A_7 = scf.for %scan3A_111 = %scan3A_3 to %scan3A_5 step %scan3A_6 iter_args(%scan3A_112 = %scan3A) -> (i32)  : i32 {
      %broadcast_in_dim3A = arith.constant -1 : i32
      %broadcast_in_dim3A_113 = vector.broadcast %broadcast_in_dim3A : i32 to vector<16xi32>
      %mul3A_114 = arith.constant 16 : i32
      %mul3A_115 = arith.muli %scan3A_111, %mul3A_114 : i32
      %swap3A = arith.index_cast %mul3A_115 : i32 to index
      %swap3A_116 = tpu.vector_load %arg10[%swap3A] {strides = array<i32>} : memref<3136xi32, #tpu.memory_space<vmem>>, vector<16xi32>,
      tpu.vector_store %arg10[%swap3A], %broadcast_in_dim3A_113 {strides = array<i32>} : memref<3136xi32, #tpu.memory_space<vmem>>, vector<16xi32>,
      %scan3A_117 = arith.constant 0 : i32
      scf.yield %scan3A_117 : i32
    }
    %scan3A_8 = arith.constant 196 : i32
    %scan3A_9 = arith.constant 0 : i32
    %scan3A_10 = arith.constant 0 : i32
    %scan3A_11 = arith.constant 1024 : i32
    %scan3A_12 = arith.addi %scan3A_10, %scan3A_11 : i32
    %scan3A_13 = arith.constant 1 : i32
    %scan3A_14 = scf.for %scan3A_111 = %scan3A_10 to %scan3A_12 step %scan3A_13 iter_args(%scan3A_112 = %scan3A_9) -> (i32)  : i32 {
      %mul3A_113 = arith.constant 16 : i32
      %mul3A_114 = arith.muli %scan3A_111, %mul3A_113 : i32
      %get3A = arith.index_cast %mul3A_114 : i32 to index
      %get3A_115 = tpu.vector_load %arg8[%get3A] {strides = array<i32>} : memref<16384xi32, #tpu.memory_space<vmem>>, vector<16xi32>,
      %ge3A = vector.broadcast %mul3A_2 : i32 to vector<16xi32>
      %ge3A_116 = arith.cmpi sge, %get3A_115, %ge3A : vector<16xi32>
      %add3A_117 = arith.constant 3125 : i32
      %add3A_118 = arith.addi %mul3A_2, %add3A_117 : i32
      %lt3A = vector.broadcast %add3A_118 : i32 to vector<16xi32>
      %lt3A_119 = arith.cmpi slt, %get3A_115, %lt3A : vector<16xi32>
      %and3A_120 = arith.andi %ge3A_116, %lt3A_119 : vector<16xi1>
      %convert_element_type3A_121 = arith.extui %and3A_120 : vector<16xi1> to vector<16xi32>
      %broadcast_in_dim3A = arith.constant true
      %broadcast_in_dim3A_122 = vector.broadcast %broadcast_in_dim3A : i1 to vector<16xi1>
      %masked_cumsum3A = tpu.scan <sum>, %convert_element_type3A_121 masked %broadcast_in_dim3A_122 : vector<16xi32>, vector<16xi1> -> vector<16xi32>
      %add3A_123 = vector.broadcast %scan3A_112 : i32 to vector<16xi32>
      %add3A_124 = arith.addi %add3A_123, %masked_cumsum3A : vector<16xi32>
      %sub3A_125 = arith.constant 1 : i32
      %sub3A_126 = vector.broadcast %sub3A_125 : i32 to vector<16xi32>
      %sub3A_127 = arith.subi %add3A_124, %sub3A_126 : vector<16xi32>
      %mul3A_128 = arith.constant 16 : i32
      %mul3A_129 = arith.muli %scan3A_111, %mul3A_128 : i32
      %iota3A = tpu.iota {dimensions = array<i32: 0>} : vector<16xi32>
      %add3A_130 = vector.broadcast %mul3A_129 : i32 to vector<16xi32>
      %add3A_131 = arith.addi %add3A_130, %iota3A : vector<16xi32>
      tpu.vector_store_idx %arg9[%sub3A_127], %add3A_131 masked %and3A_120 : memref<16384xi32, #tpu.memory_space<vmem>>[vector<16xi32>], vector<16xi32>, vector<16xi1>
      %slice3A = vector.extract_strided_slice %masked_cumsum3A {offsets = [15], sizes = [1], strides = [1]} : vector<16xi32> to vector<1xi32>
      %squeeze3A = vector.extract %slice3A[0] : i32 from vector<1xi32>
      %add3A_132 = arith.addi %scan3A_112, %squeeze3A : i32
      scf.yield %add3A_132 : i32
    }
    %scan3A_15 = arith.constant 1024 : i32
    %add3A_16 = arith.constant 16 : i32
    %add3A_17 = arith.addi %scan3A_14, %add3A_16 : i32
    %sub3A = arith.constant 1 : i32
    %sub3A_18 = arith.subi %add3A_17, %sub3A : i32
    %jit3A = arith.constant 16 : i32
    %div3A = arith.divsi %sub3A_18, %jit3A : i32
    %sign3A = arith.constant 0 : i32
    %sign3A_19 = arith.cmpi sgt, %sub3A_18, %sign3A : i32
    %sign3A_20 = arith.extui %sign3A_19 : i1 to i32
    %sign3A_21 = arith.constant 0 : i32
    %sign3A_22 = arith.cmpi slt, %sub3A_18, %sign3A_21 : i32
    %sign3A_23 = arith.extui %sign3A_22 : i1 to i32
    %sign3A_24 = arith.subi %sign3A_20, %sign3A_23 : i32
    %sign3A_25 = arith.constant 0 : i32
    %sign3A_26 = arith.cmpi sgt, %jit3A, %sign3A_25 : i32
    %sign3A_27 = arith.extui %sign3A_26 : i1 to i32
    %sign3A_28 = arith.constant 0 : i32
    %sign3A_29 = arith.cmpi slt, %jit3A, %sign3A_28 : i32
    %sign3A_30 = arith.extui %sign3A_29 : i1 to i32
    %sign3A_31 = arith.subi %sign3A_27, %sign3A_30 : i32
    %ne3A = arith.cmpi ne, %sign3A_24, %sign3A_31 : i32
    %rem3A = arith.remsi %sub3A_18, %jit3A : i32
    %ne3A_32 = arith.constant 0 : i32
    %ne3A_33 = arith.cmpi ne, %rem3A, %ne3A_32 : i32
    %and3A = arith.andi %ne3A, %ne3A_33 : i1
    %sub3A_34 = arith.constant 1 : i32
    %sub3A_35 = arith.subi %div3A, %sub3A_34 : i32
    %select_n3A = arith.select %and3A, %sub3A_35, %div3A : i32
    %while3A = arith.constant 0 : i32
    %while3A_36 = arith.constant 0 : i32
    %while3A_37 = arith.subi %select_n3A, %while3A : i32
    %while3A_38 = arith.addi %while3A, %while3A_37 : i32
    %while3A_39 = arith.constant 1 : i32
    %while3A_40 = arith.divsi %while3A_37, %while3A_39 : i32
    %while3A_41 = arith.muli %while3A_40, %while3A_39 : i32
    %while3A_42 = arith.addi %while3A, %while3A_41 : i32
    %while3A_43 = arith.constant 1 : i32
    %while3A_44 = scf.for %while3A_111 = %while3A to %while3A_42 step %while3A_43 iter_args(%while3A_112 = %while3A_36) -> (i32)  : i32 {
      %mul3A_113 = arith.constant 16 : i32
      %mul3A_114 = arith.muli %while3A_111, %mul3A_113 : i32
      %iota3A = tpu.iota {dimensions = array<i32: 0>} : vector<16xi32>
      %add3A_115 = vector.broadcast %mul3A_114 : i32 to vector<16xi32>
      %add3A_116 = arith.addi %add3A_115, %iota3A : vector<16xi32>
      %lt3A = vector.broadcast %scan3A_14 : i32 to vector<16xi32>
      %lt3A_117 = arith.cmpi slt, %add3A_116, %lt3A : vector<16xi32>
      %mul3A_118 = arith.constant 16 : i32
      %mul3A_119 = arith.muli %while3A_111, %mul3A_118 : i32
      %get3A = arith.index_cast %mul3A_119 : i32 to index
      %get3A_120 = tpu.vector_load %arg9[%get3A] {strides = array<i32>} : memref<16384xi32, #tpu.memory_space<vmem>>, vector<16xi32>,
      %gather3A = tpu.vector_load_idx %arg8[%get3A_120] masked %lt3A_117 : memref<16384xi32, #tpu.memory_space<vmem>>[vector<16xi32>], vector<16xi32>, vector<16xi1>
      %sub3A_121 = vector.broadcast %mul3A_2 : i32 to vector<16xi32>
      %sub3A_122 = arith.subi %gather3A, %sub3A_121 : vector<16xi32>
      %unique3A, %unique3A_123 = tpu.scan_count mask(%lt3A_117 : vector<16xi1>) value(%sub3A_122 : vector<16xi32>) : vector<16xi1>, vector<16xi32>
      %and3A_124 = arith.andi %unique3A, %lt3A_117 : vector<16xi1>
      tpu.vector_store_idx %arg10[%sub3A_122], %get3A_120 masked %and3A_124 : memref<3136xi32, #tpu.memory_space<vmem>>[vector<16xi32>], vector<16xi32>, vector<16xi1>
      %while3A_125 = arith.constant 0 : i32
      scf.yield %while3A_125 : i32
    }
    %while3A_45 = arith.constant 1 : i32
    %while3A_46 = scf.for %while3A_111 = %while3A_42 to %while3A_38 step %while3A_45 iter_args(%while3A_112 = %while3A_44) -> (i32)  : i32 {
      %mul3A_113 = arith.constant 16 : i32
      %mul3A_114 = arith.muli %while3A_111, %mul3A_113 : i32
      %iota3A = tpu.iota {dimensions = array<i32: 0>} : vector<16xi32>
      %add3A_115 = vector.broadcast %mul3A_114 : i32 to vector<16xi32>
      %add3A_116 = arith.addi %add3A_115, %iota3A : vector<16xi32>
      %lt3A = vector.broadcast %scan3A_14 : i32 to vector<16xi32>
      %lt3A_117 = arith.cmpi slt, %add3A_116, %lt3A : vector<16xi32>
      %mul3A_118 = arith.constant 16 : i32
      %mul3A_119 = arith.muli %while3A_111, %mul3A_118 : i32
      %get3A = arith.index_cast %mul3A_119 : i32 to index
      %get3A_120 = tpu.vector_load %arg9[%get3A] {strides = array<i32>} : memref<16384xi32, #tpu.memory_space<vmem>>, vector<16xi32>,
      %gather3A = tpu.vector_load_idx %arg8[%get3A_120] masked %lt3A_117 : memref<16384xi32, #tpu.memory_space<vmem>>[vector<16xi32>], vector<16xi32>, vector<16xi1>
      %sub3A_121 = vector.broadcast %mul3A_2 : i32 to vector<16xi32>
      %sub3A_122 = arith.subi %gather3A, %sub3A_121 : vector<16xi32>
      %unique3A, %unique3A_123 = tpu.scan_count mask(%lt3A_117 : vector<16xi1>) value(%sub3A_122 : vector<16xi32>) : vector<16xi1>, vector<16xi32>
      %and3A_124 = arith.andi %unique3A, %lt3A_117 : vector<16xi1>
      tpu.vector_store_idx %arg10[%sub3A_122], %get3A_120 masked %and3A_124 : memref<3136xi32, #tpu.memory_space<vmem>>[vector<16xi32>], vector<16xi32>, vector<16xi1>
      %while3A_125 = arith.constant 0 : i32
      scf.yield %while3A_125 : i32
    }
    %scan3A_47 = arith.constant 0 : i32
    %scan3A_48 = arith.constant 0 : i32
    %scan3A_49 = arith.constant 196 : i32
    %scan3A_50 = arith.addi %scan3A_48, %scan3A_49 : i32
    %scan3A_51 = arith.constant 1 : i32
    %scan3A_52 = scf.for %scan3A_111 = %scan3A_48 to %scan3A_50 step %scan3A_51 iter_args(%scan3A_112 = %scan3A_47) -> (i32)  : i32 {
      %mul3A_113 = arith.constant 16 : i32
      %mul3A_114 = arith.muli %scan3A_111, %mul3A_113 : i32
      %get3A = arith.index_cast %mul3A_114 : i32 to index
      %get3A_115 = tpu.vector_load %arg10[%get3A] {strides = array<i32>} : memref<3136xi32, #tpu.memory_space<vmem>>, vector<16xi32>,
      %ge3A = arith.constant 0 : i32
      %ge3A_116 = vector.broadcast %ge3A : i32 to vector<16xi32>
      %ge3A_117 = arith.cmpi sge, %get3A_115, %ge3A_116 : vector<16xi32>
      %convert_element_type3A_118 = arith.extui %ge3A_117 : vector<16xi1> to vector<16xi32>
      %broadcast_in_dim3A = arith.constant true
      %broadcast_in_dim3A_119 = vector.broadcast %broadcast_in_dim3A : i1 to vector<16xi1>
      %masked_cumsum3A = tpu.scan <sum>, %convert_element_type3A_118 masked %broadcast_in_dim3A_119 : vector<16xi32>, vector<16xi1> -> vector<16xi32>
      %add3A_120 = vector.broadcast %scan3A_112 : i32 to vector<16xi32>
      %add3A_121 = arith.addi %add3A_120, %masked_cumsum3A : vector<16xi32>
      %sub3A_122 = arith.constant 1 : i32
      %sub3A_123 = vector.broadcast %sub3A_122 : i32 to vector<16xi32>
      %sub3A_124 = arith.subi %add3A_121, %sub3A_123 : vector<16xi32>
      %mul3A_125 = arith.constant 16 : i32
      %mul3A_126 = arith.muli %scan3A_111, %mul3A_125 : i32
      %add3A_127 = arith.addi %mul3A_2, %mul3A_126 : i32
      %iota3A = tpu.iota {dimensions = array<i32: 0>} : vector<16xi32>
      %add3A_128 = vector.broadcast %add3A_127 : i32 to vector<16xi32>
      %add3A_129 = arith.addi %add3A_128, %iota3A : vector<16xi32>
      tpu.vector_store_idx %arg11[%sub3A_124], %add3A_129 masked %ge3A_117 : memref<16384xi32, #tpu.memory_space<vmem>>[vector<16xi32>], vector<16xi32>, vector<16xi1>
      tpu.vector_store_idx %arg12[%sub3A_124], %get3A_115 masked %ge3A_117 : memref<16384xi32, #tpu.memory_space<vmem>>[vector<16xi32>], vector<16xi32>, vector<16xi1>
      %slice3A = vector.extract_strided_slice %masked_cumsum3A {offsets = [15], sizes = [1], strides = [1]} : vector<16xi32> to vector<1xi32>
      %squeeze3A = vector.extract %slice3A[0] : i32 from vector<1xi32>
      %add3A_130 = arith.addi %scan3A_112, %squeeze3A : i32
      scf.yield %add3A_130 : i32
    }
    %scan3A_53 = arith.constant 196 : i32
    %add3A_54 = arith.constant 64 : i32
    %add3A_55 = arith.addi %scan3A_52, %add3A_54 : i32
    %sub3A_56 = arith.constant 1 : i32
    %sub3A_57 = arith.subi %add3A_55, %sub3A_56 : i32
    %jit3A_58 = arith.constant 64 : i32
    %div3A_59 = arith.divsi %sub3A_57, %jit3A_58 : i32
    %sign3A_60 = arith.constant 0 : i32
    %sign3A_61 = arith.cmpi sgt, %sub3A_57, %sign3A_60 : i32
    %sign3A_62 = arith.extui %sign3A_61 : i1 to i32
    %sign3A_63 = arith.constant 0 : i32
    %sign3A_64 = arith.cmpi slt, %sub3A_57, %sign3A_63 : i32
    %sign3A_65 = arith.extui %sign3A_64 : i1 to i32
    %sign3A_66 = arith.subi %sign3A_62, %sign3A_65 : i32
    %sign3A_67 = arith.constant 0 : i32
    %sign3A_68 = arith.cmpi sgt, %jit3A_58, %sign3A_67 : i32
    %sign3A_69 = arith.extui %sign3A_68 : i1 to i32
    %sign3A_70 = arith.constant 0 : i32
    %sign3A_71 = arith.cmpi slt, %jit3A_58, %sign3A_70 : i32
    %sign3A_72 = arith.extui %sign3A_71 : i1 to i32
    %sign3A_73 = arith.subi %sign3A_69, %sign3A_72 : i32
    %ne3A_74 = arith.cmpi ne, %sign3A_66, %sign3A_73 : i32
    %rem3A_75 = arith.remsi %sub3A_57, %jit3A_58 : i32
    %ne3A_76 = arith.constant 0 : i32
    %ne3A_77 = arith.cmpi ne, %rem3A_75, %ne3A_76 : i32
    %and3A_78 = arith.andi %ne3A_74, %ne3A_77 : i1
    %sub3A_79 = arith.constant 1 : i32
    %sub3A_80 = arith.subi %div3A_59, %sub3A_79 : i32
    %select_n3A_81 = arith.select %and3A_78, %sub3A_80, %div3A_59 : i32
    %gt3A = arith.constant 0 : i32
    %gt3A_82 = arith.cmpi sgt, %scan3A_52, %gt3A : i32
    %convert_element_type3A = arith.extui %gt3A_82 : i1 to i32
    %cond3A = arith.constant 0 : i32
    %cond3A_83 = arith.cmpi ne, %convert_element_type3A, %cond3A : i32
    scf.if %cond3A_83 {
      %scan3A_111 = arith.constant 0 : i32
      %scan3A_112 = arith.constant 0 : i32
      %scan3A_113 = arith.constant 4 : i32
      %scan3A_114 = arith.addi %scan3A_112, %scan3A_113 : i32
      %scan3A_115 = arith.constant 1 : i32
      %scan3A_116 = scf.for %scan3A_118 = %scan3A_112 to %scan3A_114 step %scan3A_115 iter_args(%scan3A_119 = %scan3A_111) -> (i32)  : i32 {
        %mul3A_120 = arith.constant 16 : i32
        %mul3A_121 = arith.muli %scan3A_118, %mul3A_120 : i32
        %add3A_122 = arith.addi %scan3A_52, %mul3A_121 : i32
        %iota3A = tpu.iota {dimensions = array<i32: 0>} : vector<16xi32>
        %add3A_123 = vector.broadcast %add3A_122 : i32 to vector<16xi32>
        %add3A_124 = arith.addi %add3A_123, %iota3A : vector<16xi32>
        %mul3A_125 = arith.constant 64 : i32
        %mul3A_126 = arith.muli %select_n3A_81, %mul3A_125 : i32
        %lt3A = vector.broadcast %mul3A_126 : i32 to vector<16xi32>
        %lt3A_127 = arith.cmpi slt, %add3A_124, %lt3A : vector<16xi32>
        %sub3A_128 = vector.broadcast %scan3A_52 : i32 to vector<16xi32>
        %sub3A_129 = arith.subi %add3A_124, %sub3A_128 : vector<16xi32>
        %eq3A = arith.constant 0 : i32
        %eq3A_130 = arith.cmpi eq, %scan3A_52, %eq3A : i32
        %jit3A_131 = arith.constant 1 : i32
        %select_n3A_132 = arith.select %eq3A_130, %jit3A_131, %scan3A_52 : i32
        %rem3A_133 = vector.broadcast %select_n3A_132 : i32 to vector<16xi32>
        %rem3A_134 = arith.remsi %sub3A_129, %rem3A_133 : vector<16xi32>
        %ne3A_135 = arith.constant 0 : i32
        %ne3A_136 = vector.broadcast %ne3A_135 : i32 to vector<16xi32>
        %ne3A_137 = arith.cmpi ne, %rem3A_134, %ne3A_136 : vector<16xi32>
        %lt3A_138 = arith.constant 0 : i32
        %lt3A_139 = vector.broadcast %lt3A_138 : i32 to vector<16xi32>
        %lt3A_140 = arith.cmpi slt, %rem3A_134, %lt3A_139 : vector<16xi32>
        %lt3A_141 = arith.constant 0 : i32
        %lt3A_142 = arith.cmpi slt, %select_n3A_132, %lt3A_141 : i32
        %ne3A_143 = vector.broadcast %lt3A_142 : i1 to vector<16xi1>
        %ne3A_144 = vector.broadcast %ne3A_143 : vector<16xi1> to vector<16xi1>
        %ne3A_145 = arith.xori %lt3A_140, %ne3A_144 : vector<16xi1>
        %and3A_146 = arith.andi %ne3A_145, %ne3A_137 : vector<16xi1>
        %add3A_147 = vector.broadcast %select_n3A_132 : i32 to vector<16xi32>
        %add3A_148 = arith.addi %rem3A_134, %add3A_147 : vector<16xi32>
        %select_n3A_149 = arith.select %and3A_146, %add3A_148, %rem3A_134 : vector<16xi1>, vector<16xi32>
        %gather3A = tpu.vector_load_idx %arg11[%select_n3A_149] masked %lt3A_127 : memref<16384xi32, #tpu.memory_space<vmem>>[vector<16xi32>], vector<16xi32>, vector<16xi1>
        %gather3A_150 = tpu.vector_load_idx %arg12[%select_n3A_149] masked %lt3A_127 : memref<16384xi32, #tpu.memory_space<vmem>>[vector<16xi32>], vector<16xi32>, vector<16xi1>
        tpu.vector_store_idx %arg11[%add3A_124], %gather3A masked %lt3A_127 : memref<16384xi32, #tpu.memory_space<vmem>>[vector<16xi32>], vector<16xi32>, vector<16xi1>
        tpu.vector_store_idx %arg12[%add3A_124], %gather3A_150 masked %lt3A_127 : memref<16384xi32, #tpu.memory_space<vmem>>[vector<16xi32>], vector<16xi32>, vector<16xi1>
        %scan3A_151 = arith.constant 0 : i32
        scf.yield %scan3A_151 : i32
      }
      %scan3A_117 = arith.constant 4 : i32
    } else {
    }
    %gt3A_84 = arith.constant 0 : i32
    %gt3A_85 = arith.cmpi sgt, %select_n3A_81, %gt3A_84 : i32
    %convert_element_type3A_86 = arith.extui %gt3A_85 : i1 to i32
    %cond3A_87 = arith.constant 0 : i32
    %cond3A_88 = arith.cmpi ne, %convert_element_type3A_86, %cond3A_87 : i32
    scf.if %cond3A_88 {
      %scan3A_111 = arith.constant 0 : i32
      %scan3A_112 = arith.constant 0 : i32
      %scan3A_113 = arith.constant 4 : i32
      %scan3A_114 = arith.addi %scan3A_112, %scan3A_113 : i32
      %scan3A_115 = arith.constant 1 : i32
      %scan3A_116 = scf.for %scan3A_126 = %scan3A_112 to %scan3A_114 step %scan3A_115 iter_args(%scan3A_127 = %scan3A_111) -> (i32)  : i32 {
        %mul3A_128 = arith.constant 16 : i32
        %mul3A_129 = arith.muli %scan3A_126, %mul3A_128 : i32
        %add3A_130 = arith.constant 0 : i32
        %add3A_131 = arith.addi %add3A_130, %mul3A_129 : i32
        %get3A = arith.index_cast %add3A_131 : i32 to index
        %get3A_132 = tpu.vector_load %arg11[%get3A] {strides = array<i32>} : memref<16384xi32, #tpu.memory_space<vmem>>, vector<16xi32>,
        %mul3A_133 = arith.constant 16 : i32
        %mul3A_134 = arith.muli %scan3A_126, %mul3A_133 : i32
        %swap3A = arith.index_cast %mul3A_134 : i32 to index
        %swap3A_135 = tpu.vector_load %arg13[%swap3A] {strides = array<i32>} : memref<64xi32, #tpu.memory_space<vmem>>, vector<16xi32>,
        tpu.vector_store %arg13[%swap3A], %get3A_132 {strides = array<i32>} : memref<64xi32, #tpu.memory_space<vmem>>, vector<16xi32>,
        %add3A_136 = arith.constant 100000 : i32
        %add3A_137 = vector.broadcast %add3A_136 : i32 to vector<16xi32>
        %add3A_138 = arith.addi %get3A_132, %add3A_137 : vector<16xi32>
        %mul3A_139 = arith.constant 16 : i32
        %mul3A_140 = arith.muli %scan3A_126, %mul3A_139 : i32
        %swap3A_141 = arith.index_cast %mul3A_140 : i32 to index
        %swap3A_142 = tpu.vector_load %arg14[%swap3A_141] {strides = array<i32>} : memref<64xi32, #tpu.memory_space<vmem>>, vector<16xi32>,
        tpu.vector_store %arg14[%swap3A_141], %add3A_138 {strides = array<i32>} : memref<64xi32, #tpu.memory_space<vmem>>, vector<16xi32>,
        %mul3A_143 = arith.constant 16 : i32
        %mul3A_144 = arith.muli %scan3A_126, %mul3A_143 : i32
        %add3A_145 = arith.constant 0 : i32
        %add3A_146 = arith.addi %add3A_145, %mul3A_144 : i32
        %get3A_147 = arith.index_cast %add3A_146 : i32 to index
        %get3A_148 = tpu.vector_load %arg12[%get3A_147] {strides = array<i32>} : memref<16384xi32, #tpu.memory_space<vmem>>, vector<16xi32>,
        %mul3A_149 = arith.constant 16 : i32
        %mul3A_150 = arith.muli %scan3A_126, %mul3A_149 : i32
        %swap3A_151 = arith.index_cast %mul3A_150 : i32 to index
        %swap3A_152 = tpu.vector_load %arg15[%swap3A_151] {strides = array<i32>} : memref<64xi32, #tpu.memory_space<vmem>>, vector<16xi32>,
        tpu.vector_store %arg15[%swap3A_151], %get3A_148 {strides = array<i32>} : memref<64xi32, #tpu.memory_space<vmem>>, vector<16xi32>,
        %scan3A_153 = arith.constant 0 : i32
        scf.yield %scan3A_153 : i32
      }
      %scan3A_117 = arith.constant 4 : i32
      %dma_start3A = arith.constant 0 : i32
      %dma_start3A_118 = arith.constant 0 : i32
      %dma_start3A_119 = tpu.memref_slice %arg4[%dma_start3A, %dma_start3A_118] : memref<100000x128xf32, #tpu.memory_space<hbm>> -> memref<100000x128xf32, #tpu.memory_space<hbm>>
      tpu.enqueue_indirect_dma source(%dma_start3A_119 : memref<100000x128xf32, #tpu.memory_space<hbm>>) target(%arg16 : memref<64x128xf32, #tpu.memory_space<vmem>>) offsets(%arg13 : memref<64xi32, #tpu.memory_space<vmem>>) semaphore(%arg25 : memref<!tpu.dma_semaphore, #tpu.memory_space<semaphore_mem>>)
      %dma_start3A_120 = arith.constant 0 : i32
      %dma_start3A_121 = arith.constant 0 : i32
      %dma_start3A_122 = tpu.memref_slice %arg5[%dma_start3A_120, %dma_start3A_121] : memref<100000x128xf32, #tpu.memory_space<hbm>> -> memref<100000x128xf32, #tpu.memory_space<hbm>>
      tpu.enqueue_indirect_dma source(%dma_start3A_122 : memref<100000x128xf32, #tpu.memory_space<hbm>>) target(%arg17 : memref<64x128xf32, #tpu.memory_space<vmem>>) offsets(%arg13 : memref<64xi32, #tpu.memory_space<vmem>>) semaphore(%arg25 : memref<!tpu.dma_semaphore, #tpu.memory_space<semaphore_mem>>)
      %dma_start3A_123 = arith.constant 0 : i32
      %dma_start3A_124 = arith.constant 0 : i32
      %dma_start3A_125 = tpu.memref_slice %arg3[%dma_start3A_123, %dma_start3A_124] : memref<16384x128xf32, #tpu.memory_space<hbm>> -> memref<16384x128xf32, #tpu.memory_space<hbm>>
      tpu.enqueue_indirect_dma source(%dma_start3A_125 : memref<16384x128xf32, #tpu.memory_space<hbm>>) target(%arg18 : memref<64x128xf32, #tpu.memory_space<vmem>>) offsets(%arg15 : memref<64xi32, #tpu.memory_space<vmem>>) semaphore(%arg25 : memref<!tpu.dma_semaphore, #tpu.memory_space<semaphore_mem>>)
    } else {
    }
    %while3A_89 = arith.constant 0 : i32
    %while3A_90 = arith.constant 0 : i32
    %while3A_91 = arith.subi %select_n3A_81, %while3A_89 : i32
    %while3A_92 = arith.addi %while3A_89, %while3A_91 : i32
    %while3A_93 = arith.constant 1 : i32
    %while3A_94 = arith.divsi %while3A_91, %while3A_93 : i32
    %while3A_95 = arith.muli %while3A_94, %while3A_93 : i32
    %while3A_96 = arith.addi %while3A_89, %while3A_95 : i32
    %while3A_97 = arith.constant 1 : i32
    %while3A_98 = scf.for %while3A_111 = %while3A_89 to %while3A_96 step %while3A_97 iter_args(%while3A_112 = %while3A_90) -> (i32)  : i32 {
      %jit3A_113 = arith.constant 2 : i32
      %eq3A = arith.constant 0 : i32
      %eq3A_114 = arith.cmpi eq, %jit3A_113, %eq3A : i32
      %jit3A_115 = arith.constant 1 : i32
      %select_n3A_116 = arith.select %eq3A_114, %jit3A_115, %jit3A_113 : i32
      %rem3A_117 = arith.remsi %while3A_111, %select_n3A_116 : i32
      %ne3A_118 = arith.constant 0 : i32
      %ne3A_119 = arith.cmpi ne, %rem3A_117, %ne3A_118 : i32
      %lt3A = arith.constant 0 : i32
      %lt3A_120 = arith.cmpi slt, %rem3A_117, %lt3A : i32
      %lt3A_121 = arith.constant 0 : i32
      %lt3A_122 = arith.cmpi slt, %select_n3A_116, %lt3A_121 : i32
      %ne3A_123 = arith.xori %lt3A_120, %lt3A_122 : i1
      %and3A_124 = arith.andi %ne3A_123, %ne3A_119 : i1
      %add3A_125 = arith.addi %rem3A_117, %select_n3A_116 : i32
      %select_n3A_126 = arith.select %and3A_124, %add3A_125, %rem3A_117 : i32
      %eq3A_127 = arith.constant 0 : i32
      %eq3A_128 = arith.cmpi eq, %select_n3A_126, %eq3A_127 : i32
      %convert_element_type3A_129 = arith.extui %eq3A_128 : i1 to i32
      %cond3A_130 = arith.constant 0 : i32
      %cond3A_131 = arith.cmpi ne, %convert_element_type3A_129, %cond3A_130 : i32
      scf.if %cond3A_131 {
        %add3A_154 = arith.constant 1 : i32
        %add3A_155 = arith.addi %while3A_111, %add3A_154 : i32
        %lt3A_156 = arith.cmpi slt, %add3A_155, %select_n3A_81 : i32
        %convert_element_type3A_157 = arith.extui %lt3A_156 : i1 to i32
        %cond3A_158 = arith.constant 0 : i32
        %cond3A_159 = arith.cmpi ne, %convert_element_type3A_157, %cond3A_158 : i32
        scf.if %cond3A_159 {
          %ge3A = arith.constant 1 : i32
          %ge3A_175 = arith.cmpi sge, %while3A_111, %ge3A : i32
          %convert_element_type3A_176 = arith.extui %ge3A_175 : i1 to i32
          %cond3A_177 = arith.constant 0 : i32
          %cond3A_178 = arith.cmpi ne, %convert_element_type3A_176, %cond3A_177 : i32
          scf.if %cond3A_178 {
            %dma_wait3A_199 = arith.constant 0 : i32
            %dma_wait3A_200 = arith.constant 0 : i32
            %dma_wait3A_201 = tpu.memref_slice %arg6[%dma_wait3A_199, %dma_wait3A_200] : memref<200000x128xf32, #tpu.memory_space<hbm>> -> memref<200000x128xf32, #tpu.memory_space<hbm>>
            tpu.wait_indirect_dma semaphore(%arg28 : memref<!tpu.dma_semaphore, #tpu.memory_space<semaphore_mem>>) src(%arg22 : memref<64x128xf32, #tpu.memory_space<vmem>>) dst(%dma_wait3A_201 : memref<200000x128xf32, #tpu.memory_space<hbm>>)
            %dma_wait3A_202 = arith.constant 0 : i32
            %dma_wait3A_203 = arith.constant 0 : i32
            %dma_wait3A_204 = tpu.memref_slice %arg6[%dma_wait3A_202, %dma_wait3A_203] : memref<200000x128xf32, #tpu.memory_space<hbm>> -> memref<200000x128xf32, #tpu.memory_space<hbm>>
            tpu.wait_indirect_dma semaphore(%arg28 : memref<!tpu.dma_semaphore, #tpu.memory_space<semaphore_mem>>) src(%arg23 : memref<64x128xf32, #tpu.memory_space<vmem>>) dst(%dma_wait3A_204 : memref<200000x128xf32, #tpu.memory_space<hbm>>)
          } else {
          }
          %add3A_179 = arith.constant 1 : i32
          %add3A_180 = arith.addi %while3A_111, %add3A_179 : i32
          %mul3A_181 = arith.constant 64 : i32
          %mul3A_182 = arith.muli %add3A_180, %mul3A_181 : i32
          %scan3A_183 = arith.constant 0 : i32
          %scan3A_184 = arith.constant 0 : i32
          %scan3A_185 = arith.constant 4 : i32
          %scan3A_186 = arith.addi %scan3A_184, %scan3A_185 : i32
          %scan3A_187 = arith.constant 1 : i32
          %scan3A_188 = scf.for %scan3A_199 = %scan3A_184 to %scan3A_186 step %scan3A_187 iter_args(%scan3A_200 = %scan3A_183) -> (i32)  : i32 {
            %mul3A_201 = arith.constant 16 : i32
            %mul3A_202 = arith.muli %scan3A_199, %mul3A_201 : i32
            %add3A_203 = arith.addi %mul3A_182, %mul3A_202 : i32
            %get3A = arith.index_cast %add3A_203 : i32 to index
            %get3A_204 = tpu.vector_load %arg11[%get3A] {strides = array<i32>} : memref<16384xi32, #tpu.memory_space<vmem>>, vector<16xi32>,
            %mul3A_205 = arith.constant 16 : i32
            %mul3A_206 = arith.muli %scan3A_199, %mul3A_205 : i32
            %swap3A = arith.index_cast %mul3A_206 : i32 to index
            %swap3A_207 = tpu.vector_load %arg19[%swap3A] {strides = array<i32>} : memref<64xi32, #tpu.memory_space<vmem>>, vector<16xi32>,
            tpu.vector_store %arg19[%swap3A], %get3A_204 {strides = array<i32>} : memref<64xi32, #tpu.memory_space<vmem>>, vector<16xi32>,
            %add3A_208 = arith.constant 100000 : i32
            %add3A_209 = vector.broadcast %add3A_208 : i32 to vector<16xi32>
            %add3A_210 = arith.addi %get3A_204, %add3A_209 : vector<16xi32>
            %mul3A_211 = arith.constant 16 : i32
            %mul3A_212 = arith.muli %scan3A_199, %mul3A_211 : i32
            %swap3A_213 = arith.index_cast %mul3A_212 : i32 to index
            %swap3A_214 = tpu.vector_load %arg20[%swap3A_213] {strides = array<i32>} : memref<64xi32, #tpu.memory_space<vmem>>, vector<16xi32>,
            tpu.vector_store %arg20[%swap3A_213], %add3A_210 {strides = array<i32>} : memref<64xi32, #tpu.memory_space<vmem>>, vector<16xi32>,
            %mul3A_215 = arith.constant 16 : i32
            %mul3A_216 = arith.muli %scan3A_199, %mul3A_215 : i32
            %add3A_217 = arith.addi %mul3A_182, %mul3A_216 : i32
            %get3A_218 = arith.index_cast %add3A_217 : i32 to index
            %get3A_219 = tpu.vector_load %arg12[%get3A_218] {strides = array<i32>} : memref<16384xi32, #tpu.memory_space<vmem>>, vector<16xi32>,
            %mul3A_220 = arith.constant 16 : i32
            %mul3A_221 = arith.muli %scan3A_199, %mul3A_220 : i32
            %swap3A_222 = arith.index_cast %mul3A_221 : i32 to index
            %swap3A_223 = tpu.vector_load %arg21[%swap3A_222] {strides = array<i32>} : memref<64xi32, #tpu.memory_space<vmem>>, vector<16xi32>,
            tpu.vector_store %arg21[%swap3A_222], %get3A_219 {strides = array<i32>} : memref<64xi32, #tpu.memory_space<vmem>>, vector<16xi32>,
            %scan3A_224 = arith.constant 0 : i32
            scf.yield %scan3A_224 : i32
          }
          %scan3A_189 = arith.constant 4 : i32
          %dma_start3A_190 = arith.constant 0 : i32
          %dma_start3A_191 = arith.constant 0 : i32
          %dma_start3A_192 = tpu.memref_slice %arg4[%dma_start3A_190, %dma_start3A_191] : memref<100000x128xf32, #tpu.memory_space<hbm>> -> memref<100000x128xf32, #tpu.memory_space<hbm>>
          tpu.enqueue_indirect_dma source(%dma_start3A_192 : memref<100000x128xf32, #tpu.memory_space<hbm>>) target(%arg22 : memref<64x128xf32, #tpu.memory_space<vmem>>) offsets(%arg19 : memref<64xi32, #tpu.memory_space<vmem>>) semaphore(%arg27 : memref<!tpu.dma_semaphore, #tpu.memory_space<semaphore_mem>>)
          %dma_start3A_193 = arith.constant 0 : i32
          %dma_start3A_194 = arith.constant 0 : i32
          %dma_start3A_195 = tpu.memref_slice %arg5[%dma_start3A_193, %dma_start3A_194] : memref<100000x128xf32, #tpu.memory_space<hbm>> -> memref<100000x128xf32, #tpu.memory_space<hbm>>
          tpu.enqueue_indirect_dma source(%dma_start3A_195 : memref<100000x128xf32, #tpu.memory_space<hbm>>) target(%arg23 : memref<64x128xf32, #tpu.memory_space<vmem>>) offsets(%arg19 : memref<64xi32, #tpu.memory_space<vmem>>) semaphore(%arg27 : memref<!tpu.dma_semaphore, #tpu.memory_space<semaphore_mem>>)
          %dma_start3A_196 = arith.constant 0 : i32
          %dma_start3A_197 = arith.constant 0 : i32
          %dma_start3A_198 = tpu.memref_slice %arg3[%dma_start3A_196, %dma_start3A_197] : memref<16384x128xf32, #tpu.memory_space<hbm>> -> memref<16384x128xf32, #tpu.memory_space<hbm>>
          tpu.enqueue_indirect_dma source(%dma_start3A_198 : memref<16384x128xf32, #tpu.memory_space<hbm>>) target(%arg24 : memref<64x128xf32, #tpu.memory_space<vmem>>) offsets(%arg21 : memref<64xi32, #tpu.memory_space<vmem>>) semaphore(%arg27 : memref<!tpu.dma_semaphore, #tpu.memory_space<semaphore_mem>>)
        } else {
        }
        %dma_wait3A = arith.constant 0 : i32
        %dma_wait3A_160 = arith.constant 0 : i32
        %dma_wait3A_161 = tpu.memref_slice %arg4[%dma_wait3A, %dma_wait3A_160] : memref<100000x128xf32, #tpu.memory_space<hbm>> -> memref<100000x128xf32, #tpu.memory_space<hbm>>
        tpu.wait_indirect_dma semaphore(%arg25 : memref<!tpu.dma_semaphore, #tpu.memory_space<semaphore_mem>>) src(%dma_wait3A_161 : memref<100000x128xf32, #tpu.memory_space<hbm>>) dst(%arg16 : memref<64x128xf32, #tpu.memory_space<vmem>>)
        %dma_wait3A_162 = arith.constant 0 : i32
        %dma_wait3A_163 = arith.constant 0 : i32
        %dma_wait3A_164 = tpu.memref_slice %arg5[%dma_wait3A_162, %dma_wait3A_163] : memref<100000x128xf32, #tpu.memory_space<hbm>> -> memref<100000x128xf32, #tpu.memory_space<hbm>>
        tpu.wait_indirect_dma semaphore(%arg25 : memref<!tpu.dma_semaphore, #tpu.memory_space<semaphore_mem>>) src(%dma_wait3A_164 : memref<100000x128xf32, #tpu.memory_space<hbm>>) dst(%arg17 : memref<64x128xf32, #tpu.memory_space<vmem>>)
        %dma_wait3A_165 = arith.constant 0 : i32
        %dma_wait3A_166 = arith.constant 0 : i32
        %dma_wait3A_167 = tpu.memref_slice %arg3[%dma_wait3A_165, %dma_wait3A_166] : memref<16384x128xf32, #tpu.memory_space<hbm>> -> memref<16384x128xf32, #tpu.memory_space<hbm>>
        tpu.wait_indirect_dma semaphore(%arg25 : memref<!tpu.dma_semaphore, #tpu.memory_space<semaphore_mem>>) src(%dma_wait3A_167 : memref<16384x128xf32, #tpu.memory_space<hbm>>) dst(%arg18 : memref<64x128xf32, #tpu.memory_space<vmem>>)
        %parallel_loop3A = arith.constant 0 : i32
        %parallel_loop3A_168 = arith.constant 512 : i32
        %parallel_loop3A_169 = arith.constant 1 : i32
        scf.for %parallel_loop3A_175 = %parallel_loop3A to %parallel_loop3A_168 step %parallel_loop3A_169  : i32 {
          %parallel_loop3A_176 = arith.constant 8 : i32
          %parallel_loop3A_177 = arith.divsi %parallel_loop3A_175, %parallel_loop3A_176 : i32
          %parallel_loop3A_178 = arith.constant 0 : i32
          %parallel_loop3A_179 = arith.cmpi sgt, %parallel_loop3A_175, %parallel_loop3A_178 : i32
          %parallel_loop3A_180 = arith.extui %parallel_loop3A_179 : i1 to i32
          %parallel_loop3A_181 = arith.constant 0 : i32
          %parallel_loop3A_182 = arith.cmpi slt, %parallel_loop3A_175, %parallel_loop3A_181 : i32
          %parallel_loop3A_183 = arith.extui %parallel_loop3A_182 : i1 to i32
          %parallel_loop3A_184 = arith.subi %parallel_loop3A_180, %parallel_loop3A_183 : i32
          %parallel_loop3A_185 = arith.constant 0 : i32
          %parallel_loop3A_186 = arith.cmpi sgt, %parallel_loop3A_176, %parallel_loop3A_185 : i32
          %parallel_loop3A_187 = arith.extui %parallel_loop3A_186 : i1 to i32
          %parallel_loop3A_188 = arith.constant 0 : i32
          %parallel_loop3A_189 = arith.cmpi slt, %parallel_loop3A_176, %parallel_loop3A_188 : i32
          %parallel_loop3A_190 = arith.extui %parallel_loop3A_189 : i1 to i32
          %parallel_loop3A_191 = arith.subi %parallel_loop3A_187, %parallel_loop3A_190 : i32
          %parallel_loop3A_192 = arith.cmpi ne, %parallel_loop3A_184, %parallel_loop3A_191 : i32
          %parallel_loop3A_193 = arith.remsi %parallel_loop3A_175, %parallel_loop3A_176 : i32
          %parallel_loop3A_194 = arith.constant 0 : i32
          %parallel_loop3A_195 = arith.cmpi ne, %parallel_loop3A_193, %parallel_loop3A_194 : i32
          %parallel_loop3A_196 = arith.andi %parallel_loop3A_192, %parallel_loop3A_195 : i1
          %parallel_loop3A_197 = arith.constant 1 : i32
          %parallel_loop3A_198 = arith.subi %parallel_loop3A_177, %parallel_loop3A_197 : i32
          %parallel_loop3A_199 = arith.select %parallel_loop3A_196, %parallel_loop3A_198, %parallel_loop3A_177 : i32
          %parallel_loop3A_200 = arith.constant 8 : i32
          %parallel_loop3A_201 = arith.constant 0 : i32
          %parallel_loop3A_202 = arith.cmpi eq, %parallel_loop3A_200, %parallel_loop3A_201 : i32
          %parallel_loop3A_203 = arith.constant 1 : i32
          %parallel_loop3A_204 = arith.select %parallel_loop3A_202, %parallel_loop3A_203, %parallel_loop3A_200 : i32
          %parallel_loop3A_205 = arith.remsi %parallel_loop3A_175, %parallel_loop3A_204 : i32
          %parallel_loop3A_206 = arith.constant 0 : i32
          %parallel_loop3A_207 = arith.cmpi ne, %parallel_loop3A_205, %parallel_loop3A_206 : i32
          %parallel_loop3A_208 = arith.constant 0 : i32
          %parallel_loop3A_209 = arith.cmpi slt, %parallel_loop3A_205, %parallel_loop3A_208 : i32
          %parallel_loop3A_210 = arith.constant 0 : i32
          %parallel_loop3A_211 = arith.cmpi slt, %parallel_loop3A_204, %parallel_loop3A_210 : i32
          %parallel_loop3A_212 = arith.xori %parallel_loop3A_209, %parallel_loop3A_211 : i1
          %parallel_loop3A_213 = arith.andi %parallel_loop3A_212, %parallel_loop3A_207 : i1
          %parallel_loop3A_214 = arith.addi %parallel_loop3A_205, %parallel_loop3A_204 : i32
          %parallel_loop3A_215 = arith.select %parallel_loop3A_213, %parallel_loop3A_214, %parallel_loop3A_205 : i32
          %parallel_loop3A_216 = arith.constant 16 : i32
          %parallel_loop3A_217 = arith.muli %parallel_loop3A_215, %parallel_loop3A_216 : i32
          %parallel_loop3A_218 = arith.index_cast %parallel_loop3A_199 : i32 to index
          %parallel_loop3A_219 = arith.index_cast %parallel_loop3A_217 : i32 to index
          %parallel_loop3A_220 = tpu.vector_load %arg18[%parallel_loop3A_218, %parallel_loop3A_219] {strides = array<i32>} : memref<64x128xf32, #tpu.memory_space<vmem>>, vector<16xf32>,
          %parallel_loop3A_221 = arith.constant 16 : i32
          %parallel_loop3A_222 = arith.muli %parallel_loop3A_215, %parallel_loop3A_221 : i32
          %parallel_loop3A_223 = arith.index_cast %parallel_loop3A_199 : i32 to index
          %parallel_loop3A_224 = arith.index_cast %parallel_loop3A_222 : i32 to index
          %parallel_loop3A_225 = tpu.vector_load %arg16[%parallel_loop3A_223, %parallel_loop3A_224] {strides = array<i32>} : memref<64x128xf32, #tpu.memory_space<vmem>>, vector<16xf32>,
          %parallel_loop3A_226 = arith.constant 1.000000e+00 : f32
          %parallel_loop3A_227 = vector.broadcast %parallel_loop3A_226 : f32 to vector<16xf32>
          %parallel_loop3A_228 = arith.addf %parallel_loop3A_220, %parallel_loop3A_227 : vector<16xf32>
          %parallel_loop3A_229 = arith.addf %parallel_loop3A_225, %parallel_loop3A_228 : vector<16xf32>
          %parallel_loop3A_230 = arith.constant 16 : i32
          %parallel_loop3A_231 = arith.muli %parallel_loop3A_215, %parallel_loop3A_230 : i32
          %parallel_loop3A_232 = arith.index_cast %parallel_loop3A_199 : i32 to index
          %parallel_loop3A_233 = arith.index_cast %parallel_loop3A_231 : i32 to index
          %parallel_loop3A_234 = tpu.vector_load %arg16[%parallel_loop3A_232, %parallel_loop3A_233] {strides = array<i32>} : memref<64x128xf32, #tpu.memory_space<vmem>>, vector<16xf32>,
          tpu.vector_store %arg16[%parallel_loop3A_232, %parallel_loop3A_233], %parallel_loop3A_229 {strides = array<i32>} : memref<64x128xf32, #tpu.memory_space<vmem>>, vector<16xf32>,
          %parallel_loop3A_235 = arith.constant 16 : i32
          %parallel_loop3A_236 = arith.muli %parallel_loop3A_215, %parallel_loop3A_235 : i32
          %parallel_loop3A_237 = arith.index_cast %parallel_loop3A_199 : i32 to index
          %parallel_loop3A_238 = arith.index_cast %parallel_loop3A_236 : i32 to index
          %parallel_loop3A_239 = tpu.vector_load %arg17[%parallel_loop3A_237, %parallel_loop3A_238] {strides = array<i32>} : memref<64x128xf32, #tpu.memory_space<vmem>>, vector<16xf32>,
          %parallel_loop3A_240 = arith.mulf %parallel_loop3A_220, %parallel_loop3A_220 : vector<16xf32>
          %parallel_loop3A_241 = arith.addf %parallel_loop3A_239, %parallel_loop3A_240 : vector<16xf32>
          %parallel_loop3A_242 = arith.constant 16 : i32
          %parallel_loop3A_243 = arith.muli %parallel_loop3A_215, %parallel_loop3A_242 : i32
          %parallel_loop3A_244 = arith.index_cast %parallel_loop3A_199 : i32 to index
          %parallel_loop3A_245 = arith.index_cast %parallel_loop3A_243 : i32 to index
          %parallel_loop3A_246 = tpu.vector_load %arg17[%parallel_loop3A_244, %parallel_loop3A_245] {strides = array<i32>} : memref<64x128xf32, #tpu.memory_space<vmem>>, vector<16xf32>,
          tpu.vector_store %arg17[%parallel_loop3A_244, %parallel_loop3A_245], %parallel_loop3A_241 {strides = array<i32>} : memref<64x128xf32, #tpu.memory_space<vmem>>, vector<16xf32>,
        } {sc.loop_unroll_factor = 4 : i64, sc.parallel_access}
        %dma_start3A = arith.constant 0 : i32
        %dma_start3A_170 = arith.constant 0 : i32
        %dma_start3A_171 = tpu.memref_slice %arg6[%dma_start3A, %dma_start3A_170] : memref<200000x128xf32, #tpu.memory_space<hbm>> -> memref<200000x128xf32, #tpu.memory_space<hbm>>
        tpu.enqueue_indirect_dma source(%arg16 : memref<64x128xf32, #tpu.memory_space<vmem>>) target(%dma_start3A_171 : memref<200000x128xf32, #tpu.memory_space<hbm>>) offsets(%arg13 : memref<64xi32, #tpu.memory_space<vmem>>) semaphore(%arg26 : memref<!tpu.dma_semaphore, #tpu.memory_space<semaphore_mem>>)
        %dma_start3A_172 = arith.constant 0 : i32
        %dma_start3A_173 = arith.constant 0 : i32
        %dma_start3A_174 = tpu.memref_slice %arg6[%dma_start3A_172, %dma_start3A_173] : memref<200000x128xf32, #tpu.memory_space<hbm>> -> memref<200000x128xf32, #tpu.memory_space<hbm>>
        tpu.enqueue_indirect_dma source(%arg17 : memref<64x128xf32, #tpu.memory_space<vmem>>) target(%dma_start3A_174 : memref<200000x128xf32, #tpu.memory_space<hbm>>) offsets(%arg14 : memref<64xi32, #tpu.memory_space<vmem>>) semaphore(%arg26 : memref<!tpu.dma_semaphore, #tpu.memory_space<semaphore_mem>>)
      } else {
      }
      %jit3A_132 = arith.constant 2 : i32
      %eq3A_133 = arith.constant 0 : i32
      %eq3A_134 = arith.cmpi eq, %jit3A_132, %eq3A_133 : i32
      %jit3A_135 = arith.constant 1 : i32
      %select_n3A_136 = arith.select %eq3A_134, %jit3A_135, %jit3A_132 : i32
      %rem3A_137 = arith.remsi %while3A_111, %select_n3A_136 : i32
      %ne3A_138 = arith.constant 0 : i32
      %ne3A_139 = arith.cmpi ne, %rem3A_137, %ne3A_138 : i32
      %lt3A_140 = arith.constant 0 : i32
      %lt3A_141 = arith.cmpi slt, %rem3A_137, %lt3A_140 : i32
      %lt3A_142 = arith.constant 0 : i32
      %lt3A_143 = arith.cmpi slt, %select_n3A_136, %lt3A_142 : i32
      %ne3A_144 = arith.xori %lt3A_141, %lt3A_143 : i1
      %and3A_145 = arith.andi %ne3A_144, %ne3A_139 : i1
      %add3A_146 = arith.addi %rem3A_137, %select_n3A_136 : i32
      %select_n3A_147 = arith.select %and3A_145, %add3A_146, %rem3A_137 : i32
      %eq3A_148 = arith.constant 1 : i32
      %eq3A_149 = arith.cmpi eq, %select_n3A_147, %eq3A_148 : i32
      %convert_element_type3A_150 = arith.extui %eq3A_149 : i1 to i32
      %cond3A_151 = arith.constant 0 : i32
      %cond3A_152 = arith.cmpi ne, %convert_element_type3A_150, %cond3A_151 : i32
      scf.if %cond3A_152 {
        %add3A_154 = arith.constant 1 : i32
        %add3A_155 = arith.addi %while3A_111, %add3A_154 : i32
        %lt3A_156 = arith.cmpi slt, %add3A_155, %select_n3A_81 : i32
        %convert_element_type3A_157 = arith.extui %lt3A_156 : i1 to i32
        %cond3A_158 = arith.constant 0 : i32
        %cond3A_159 = arith.cmpi ne, %convert_element_type3A_157, %cond3A_158 : i32
        scf.if %cond3A_159 {
          %ge3A = arith.constant 1 : i32
          %ge3A_175 = arith.cmpi sge, %while3A_111, %ge3A : i32
          %convert_element_type3A_176 = arith.extui %ge3A_175 : i1 to i32
          %cond3A_177 = arith.constant 0 : i32
          %cond3A_178 = arith.cmpi ne, %convert_element_type3A_176, %cond3A_177 : i32
          scf.if %cond3A_178 {
            %dma_wait3A_199 = arith.constant 0 : i32
            %dma_wait3A_200 = arith.constant 0 : i32
            %dma_wait3A_201 = tpu.memref_slice %arg6[%dma_wait3A_199, %dma_wait3A_200] : memref<200000x128xf32, #tpu.memory_space<hbm>> -> memref<200000x128xf32, #tpu.memory_space<hbm>>
            tpu.wait_indirect_dma semaphore(%arg26 : memref<!tpu.dma_semaphore, #tpu.memory_space<semaphore_mem>>) src(%arg16 : memref<64x128xf32, #tpu.memory_space<vmem>>) dst(%dma_wait3A_201 : memref<200000x128xf32, #tpu.memory_space<hbm>>)
            %dma_wait3A_202 = arith.constant 0 : i32
            %dma_wait3A_203 = arith.constant 0 : i32
            %dma_wait3A_204 = tpu.memref_slice %arg6[%dma_wait3A_202, %dma_wait3A_203] : memref<200000x128xf32, #tpu.memory_space<hbm>> -> memref<200000x128xf32, #tpu.memory_space<hbm>>
            tpu.wait_indirect_dma semaphore(%arg26 : memref<!tpu.dma_semaphore, #tpu.memory_space<semaphore_mem>>) src(%arg17 : memref<64x128xf32, #tpu.memory_space<vmem>>) dst(%dma_wait3A_204 : memref<200000x128xf32, #tpu.memory_space<hbm>>)
          } else {
          }
          %add3A_179 = arith.constant 1 : i32
          %add3A_180 = arith.addi %while3A_111, %add3A_179 : i32
          %mul3A_181 = arith.constant 64 : i32
          %mul3A_182 = arith.muli %add3A_180, %mul3A_181 : i32
          %scan3A_183 = arith.constant 0 : i32
          %scan3A_184 = arith.constant 0 : i32
          %scan3A_185 = arith.constant 4 : i32
          %scan3A_186 = arith.addi %scan3A_184, %scan3A_185 : i32
          %scan3A_187 = arith.constant 1 : i32
          %scan3A_188 = scf.for %scan3A_199 = %scan3A_184 to %scan3A_186 step %scan3A_187 iter_args(%scan3A_200 = %scan3A_183) -> (i32)  : i32 {
            %mul3A_201 = arith.constant 16 : i32
            %mul3A_202 = arith.muli %scan3A_199, %mul3A_201 : i32
            %add3A_203 = arith.addi %mul3A_182, %mul3A_202 : i32
            %get3A = arith.index_cast %add3A_203 : i32 to index
            %get3A_204 = tpu.vector_load %arg11[%get3A] {strides = array<i32>} : memref<16384xi32, #tpu.memory_space<vmem>>, vector<16xi32>,
            %mul3A_205 = arith.constant 16 : i32
            %mul3A_206 = arith.muli %scan3A_199, %mul3A_205 : i32
            %swap3A = arith.index_cast %mul3A_206 : i32 to index
            %swap3A_207 = tpu.vector_load %arg13[%swap3A] {strides = array<i32>} : memref<64xi32, #tpu.memory_space<vmem>>, vector<16xi32>,
            tpu.vector_store %arg13[%swap3A], %get3A_204 {strides = array<i32>} : memref<64xi32, #tpu.memory_space<vmem>>, vector<16xi32>,
            %add3A_208 = arith.constant 100000 : i32
            %add3A_209 = vector.broadcast %add3A_208 : i32 to vector<16xi32>
            %add3A_210 = arith.addi %get3A_204, %add3A_209 : vector<16xi32>
            %mul3A_211 = arith.constant 16 : i32
            %mul3A_212 = arith.muli %scan3A_199, %mul3A_211 : i32
            %swap3A_213 = arith.index_cast %mul3A_212 : i32 to index
            %swap3A_214 = tpu.vector_load %arg14[%swap3A_213] {strides = array<i32>} : memref<64xi32, #tpu.memory_space<vmem>>, vector<16xi32>,
            tpu.vector_store %arg14[%swap3A_213], %add3A_210 {strides = array<i32>} : memref<64xi32, #tpu.memory_space<vmem>>, vector<16xi32>,
            %mul3A_215 = arith.constant 16 : i32
            %mul3A_216 = arith.muli %scan3A_199, %mul3A_215 : i32
            %add3A_217 = arith.addi %mul3A_182, %mul3A_216 : i32
            %get3A_218 = arith.index_cast %add3A_217 : i32 to index
            %get3A_219 = tpu.vector_load %arg12[%get3A_218] {strides = array<i32>} : memref<16384xi32, #tpu.memory_space<vmem>>, vector<16xi32>,
            %mul3A_220 = arith.constant 16 : i32
            %mul3A_221 = arith.muli %scan3A_199, %mul3A_220 : i32
            %swap3A_222 = arith.index_cast %mul3A_221 : i32 to index
            %swap3A_223 = tpu.vector_load %arg15[%swap3A_222] {strides = array<i32>} : memref<64xi32, #tpu.memory_space<vmem>>, vector<16xi32>,
            tpu.vector_store %arg15[%swap3A_222], %get3A_219 {strides = array<i32>} : memref<64xi32, #tpu.memory_space<vmem>>, vector<16xi32>,
            %scan3A_224 = arith.constant 0 : i32
            scf.yield %scan3A_224 : i32
          }
          %scan3A_189 = arith.constant 4 : i32
          %dma_start3A_190 = arith.constant 0 : i32
          %dma_start3A_191 = arith.constant 0 : i32
          %dma_start3A_192 = tpu.memref_slice %arg4[%dma_start3A_190, %dma_start3A_191] : memref<100000x128xf32, #tpu.memory_space<hbm>> -> memref<100000x128xf32, #tpu.memory_space<hbm>>
          tpu.enqueue_indirect_dma source(%dma_start3A_192 : memref<100000x128xf32, #tpu.memory_space<hbm>>) target(%arg16 : memref<64x128xf32, #tpu.memory_space<vmem>>) offsets(%arg13 : memref<64xi32, #tpu.memory_space<vmem>>) semaphore(%arg25 : memref<!tpu.dma_semaphore, #tpu.memory_space<semaphore_mem>>)
          %dma_start3A_193 = arith.constant 0 : i32
          %dma_start3A_194 = arith.constant 0 : i32
          %dma_start3A_195 = tpu.memref_slice %arg5[%dma_start3A_193, %dma_start3A_194] : memref<100000x128xf32, #tpu.memory_space<hbm>> -> memref<100000x128xf32, #tpu.memory_space<hbm>>
          tpu.enqueue_indirect_dma source(%dma_start3A_195 : memref<100000x128xf32, #tpu.memory_space<hbm>>) target(%arg17 : memref<64x128xf32, #tpu.memory_space<vmem>>) offsets(%arg13 : memref<64xi32, #tpu.memory_space<vmem>>) semaphore(%arg25 : memref<!tpu.dma_semaphore, #tpu.memory_space<semaphore_mem>>)
          %dma_start3A_196 = arith.constant 0 : i32
          %dma_start3A_197 = arith.constant 0 : i32
          %dma_start3A_198 = tpu.memref_slice %arg3[%dma_start3A_196, %dma_start3A_197] : memref<16384x128xf32, #tpu.memory_space<hbm>> -> memref<16384x128xf32, #tpu.memory_space<hbm>>
          tpu.enqueue_indirect_dma source(%dma_start3A_198 : memref<16384x128xf32, #tpu.memory_space<hbm>>) target(%arg18 : memref<64x128xf32, #tpu.memory_space<vmem>>) offsets(%arg15 : memref<64xi32, #tpu.memory_space<vmem>>) semaphore(%arg25 : memref<!tpu.dma_semaphore, #tpu.memory_space<semaphore_mem>>)
        } else {
        }
        %dma_wait3A = arith.constant 0 : i32
        %dma_wait3A_160 = arith.constant 0 : i32
        %dma_wait3A_161 = tpu.memref_slice %arg4[%dma_wait3A, %dma_wait3A_160] : memref<100000x128xf32, #tpu.memory_space<hbm>> -> memref<100000x128xf32, #tpu.memory_space<hbm>>
        tpu.wait_indirect_dma semaphore(%arg27 : memref<!tpu.dma_semaphore, #tpu.memory_space<semaphore_mem>>) src(%dma_wait3A_161 : memref<100000x128xf32, #tpu.memory_space<hbm>>) dst(%arg22 : memref<64x128xf32, #tpu.memory_space<vmem>>)
        %dma_wait3A_162 = arith.constant 0 : i32
        %dma_wait3A_163 = arith.constant 0 : i32
        %dma_wait3A_164 = tpu.memref_slice %arg5[%dma_wait3A_162, %dma_wait3A_163] : memref<100000x128xf32, #tpu.memory_space<hbm>> -> memref<100000x128xf32, #tpu.memory_space<hbm>>
        tpu.wait_indirect_dma semaphore(%arg27 : memref<!tpu.dma_semaphore, #tpu.memory_space<semaphore_mem>>) src(%dma_wait3A_164 : memref<100000x128xf32, #tpu.memory_space<hbm>>) dst(%arg23 : memref<64x128xf32, #tpu.memory_space<vmem>>)
        %dma_wait3A_165 = arith.constant 0 : i32
        %dma_wait3A_166 = arith.constant 0 : i32
        %dma_wait3A_167 = tpu.memref_slice %arg3[%dma_wait3A_165, %dma_wait3A_166] : memref<16384x128xf32, #tpu.memory_space<hbm>> -> memref<16384x128xf32, #tpu.memory_space<hbm>>
        tpu.wait_indirect_dma semaphore(%arg27 : memref<!tpu.dma_semaphore, #tpu.memory_space<semaphore_mem>>) src(%dma_wait3A_167 : memref<16384x128xf32, #tpu.memory_space<hbm>>) dst(%arg24 : memref<64x128xf32, #tpu.memory_space<vmem>>)
        %parallel_loop3A = arith.constant 0 : i32
        %parallel_loop3A_168 = arith.constant 512 : i32
        %parallel_loop3A_169 = arith.constant 1 : i32
        scf.for %parallel_loop3A_175 = %parallel_loop3A to %parallel_loop3A_168 step %parallel_loop3A_169  : i32 {
          %parallel_loop3A_176 = arith.constant 8 : i32
          %parallel_loop3A_177 = arith.divsi %parallel_loop3A_175, %parallel_loop3A_176 : i32
          %parallel_loop3A_178 = arith.constant 0 : i32
          %parallel_loop3A_179 = arith.cmpi sgt, %parallel_loop3A_175, %parallel_loop3A_178 : i32
          %parallel_loop3A_180 = arith.extui %parallel_loop3A_179 : i1 to i32
          %parallel_loop3A_181 = arith.constant 0 : i32
          %parallel_loop3A_182 = arith.cmpi slt, %parallel_loop3A_175, %parallel_loop3A_181 : i32
          %parallel_loop3A_183 = arith.extui %parallel_loop3A_182 : i1 to i32
          %parallel_loop3A_184 = arith.subi %parallel_loop3A_180, %parallel_loop3A_183 : i32
          %parallel_loop3A_185 = arith.constant 0 : i32
          %parallel_loop3A_186 = arith.cmpi sgt, %parallel_loop3A_176, %parallel_loop3A_185 : i32
          %parallel_loop3A_187 = arith.extui %parallel_loop3A_186 : i1 to i32
          %parallel_loop3A_188 = arith.constant 0 : i32
          %parallel_loop3A_189 = arith.cmpi slt, %parallel_loop3A_176, %parallel_loop3A_188 : i32
          %parallel_loop3A_190 = arith.extui %parallel_loop3A_189 : i1 to i32
          %parallel_loop3A_191 = arith.subi %parallel_loop3A_187, %parallel_loop3A_190 : i32
          %parallel_loop3A_192 = arith.cmpi ne, %parallel_loop3A_184, %parallel_loop3A_191 : i32
          %parallel_loop3A_193 = arith.remsi %parallel_loop3A_175, %parallel_loop3A_176 : i32
          %parallel_loop3A_194 = arith.constant 0 : i32
          %parallel_loop3A_195 = arith.cmpi ne, %parallel_loop3A_193, %parallel_loop3A_194 : i32
          %parallel_loop3A_196 = arith.andi %parallel_loop3A_192, %parallel_loop3A_195 : i1
          %parallel_loop3A_197 = arith.constant 1 : i32
          %parallel_loop3A_198 = arith.subi %parallel_loop3A_177, %parallel_loop3A_197 : i32
          %parallel_loop3A_199 = arith.select %parallel_loop3A_196, %parallel_loop3A_198, %parallel_loop3A_177 : i32
          %parallel_loop3A_200 = arith.constant 8 : i32
          %parallel_loop3A_201 = arith.constant 0 : i32
          %parallel_loop3A_202 = arith.cmpi eq, %parallel_loop3A_200, %parallel_loop3A_201 : i32
          %parallel_loop3A_203 = arith.constant 1 : i32
          %parallel_loop3A_204 = arith.select %parallel_loop3A_202, %parallel_loop3A_203, %parallel_loop3A_200 : i32
          %parallel_loop3A_205 = arith.remsi %parallel_loop3A_175, %parallel_loop3A_204 : i32
          %parallel_loop3A_206 = arith.constant 0 : i32
          %parallel_loop3A_207 = arith.cmpi ne, %parallel_loop3A_205, %parallel_loop3A_206 : i32
          %parallel_loop3A_208 = arith.constant 0 : i32
          %parallel_loop3A_209 = arith.cmpi slt, %parallel_loop3A_205, %parallel_loop3A_208 : i32
          %parallel_loop3A_210 = arith.constant 0 : i32
          %parallel_loop3A_211 = arith.cmpi slt, %parallel_loop3A_204, %parallel_loop3A_210 : i32
          %parallel_loop3A_212 = arith.xori %parallel_loop3A_209, %parallel_loop3A_211 : i1
          %parallel_loop3A_213 = arith.andi %parallel_loop3A_212, %parallel_loop3A_207 : i1
          %parallel_loop3A_214 = arith.addi %parallel_loop3A_205, %parallel_loop3A_204 : i32
          %parallel_loop3A_215 = arith.select %parallel_loop3A_213, %parallel_loop3A_214, %parallel_loop3A_205 : i32
          %parallel_loop3A_216 = arith.constant 16 : i32
          %parallel_loop3A_217 = arith.muli %parallel_loop3A_215, %parallel_loop3A_216 : i32
          %parallel_loop3A_218 = arith.index_cast %parallel_loop3A_199 : i32 to index
          %parallel_loop3A_219 = arith.index_cast %parallel_loop3A_217 : i32 to index
          %parallel_loop3A_220 = tpu.vector_load %arg24[%parallel_loop3A_218, %parallel_loop3A_219] {strides = array<i32>} : memref<64x128xf32, #tpu.memory_space<vmem>>, vector<16xf32>,
          %parallel_loop3A_221 = arith.constant 16 : i32
          %parallel_loop3A_222 = arith.muli %parallel_loop3A_215, %parallel_loop3A_221 : i32
          %parallel_loop3A_223 = arith.index_cast %parallel_loop3A_199 : i32 to index
          %parallel_loop3A_224 = arith.index_cast %parallel_loop3A_222 : i32 to index
          %parallel_loop3A_225 = tpu.vector_load %arg22[%parallel_loop3A_223, %parallel_loop3A_224] {strides = array<i32>} : memref<64x128xf32, #tpu.memory_space<vmem>>, vector<16xf32>,
          %parallel_loop3A_226 = arith.constant 1.000000e+00 : f32
          %parallel_loop3A_227 = vector.broadcast %parallel_loop3A_226 : f32 to vector<16xf32>
          %parallel_loop3A_228 = arith.addf %parallel_loop3A_220, %parallel_loop3A_227 : vector<16xf32>
          %parallel_loop3A_229 = arith.addf %parallel_loop3A_225, %parallel_loop3A_228 : vector<16xf32>
          %parallel_loop3A_230 = arith.constant 16 : i32
          %parallel_loop3A_231 = arith.muli %parallel_loop3A_215, %parallel_loop3A_230 : i32
          %parallel_loop3A_232 = arith.index_cast %parallel_loop3A_199 : i32 to index
          %parallel_loop3A_233 = arith.index_cast %parallel_loop3A_231 : i32 to index
          %parallel_loop3A_234 = tpu.vector_load %arg22[%parallel_loop3A_232, %parallel_loop3A_233] {strides = array<i32>} : memref<64x128xf32, #tpu.memory_space<vmem>>, vector<16xf32>,
          tpu.vector_store %arg22[%parallel_loop3A_232, %parallel_loop3A_233], %parallel_loop3A_229 {strides = array<i32>} : memref<64x128xf32, #tpu.memory_space<vmem>>, vector<16xf32>,
          %parallel_loop3A_235 = arith.constant 16 : i32
          %parallel_loop3A_236 = arith.muli %parallel_loop3A_215, %parallel_loop3A_235 : i32
          %parallel_loop3A_237 = arith.index_cast %parallel_loop3A_199 : i32 to index
          %parallel_loop3A_238 = arith.index_cast %parallel_loop3A_236 : i32 to index
          %parallel_loop3A_239 = tpu.vector_load %arg23[%parallel_loop3A_237, %parallel_loop3A_238] {strides = array<i32>} : memref<64x128xf32, #tpu.memory_space<vmem>>, vector<16xf32>,
          %parallel_loop3A_240 = arith.mulf %parallel_loop3A_220, %parallel_loop3A_220 : vector<16xf32>
          %parallel_loop3A_241 = arith.addf %parallel_loop3A_239, %parallel_loop3A_240 : vector<16xf32>
          %parallel_loop3A_242 = arith.constant 16 : i32
          %parallel_loop3A_243 = arith.muli %parallel_loop3A_215, %parallel_loop3A_242 : i32
          %parallel_loop3A_244 = arith.index_cast %parallel_loop3A_199 : i32 to index
          %parallel_loop3A_245 = arith.index_cast %parallel_loop3A_243 : i32 to index
          %parallel_loop3A_246 = tpu.vector_load %arg23[%parallel_loop3A_244, %parallel_loop3A_245] {strides = array<i32>} : memref<64x128xf32, #tpu.memory_space<vmem>>, vector<16xf32>,
          tpu.vector_store %arg23[%parallel_loop3A_244, %parallel_loop3A_245], %parallel_loop3A_241 {strides = array<i32>} : memref<64x128xf32, #tpu.memory_space<vmem>>, vector<16xf32>,
        } {sc.loop_unroll_factor = 4 : i64, sc.parallel_access}
        %dma_start3A = arith.constant 0 : i32
        %dma_start3A_170 = arith.constant 0 : i32
        %dma_start3A_171 = tpu.memref_slice %arg6[%dma_start3A, %dma_start3A_170] : memref<200000x128xf32, #tpu.memory_space<hbm>> -> memref<200000x128xf32, #tpu.memory_space<hbm>>
        tpu.enqueue_indirect_dma source(%arg22 : memref<64x128xf32, #tpu.memory_space<vmem>>) target(%dma_start3A_171 : memref<200000x128xf32, #tpu.memory_space<hbm>>) offsets(%arg19 : memref<64xi32, #tpu.memory_space<vmem>>) semaphore(%arg28 : memref<!tpu.dma_semaphore, #tpu.memory_space<semaphore_mem>>)
        %dma_start3A_172 = arith.constant 0 : i32
        %dma_start3A_173 = arith.constant 0 : i32
        %dma_start3A_174 = tpu.memref_slice %arg6[%dma_start3A_172, %dma_start3A_173] : memref<200000x128xf32, #tpu.memory_space<hbm>> -> memref<200000x128xf32, #tpu.memory_space<hbm>>
        tpu.enqueue_indirect_dma source(%arg23 : memref<64x128xf32, #tpu.memory_space<vmem>>) target(%dma_start3A_174 : memref<200000x128xf32, #tpu.memory_space<hbm>>) offsets(%arg20 : memref<64xi32, #tpu.memory_space<vmem>>) semaphore(%arg28 : memref<!tpu.dma_semaphore, #tpu.memory_space<semaphore_mem>>)
      } else {
      }
      %while3A_153 = arith.constant 0 : i32
      scf.yield %while3A_153 : i32
    }
    %while3A_99 = arith.constant 1 : i32
    %while3A_100 = scf.for %while3A_111 = %while3A_96 to %while3A_92 step %while3A_99 iter_args(%while3A_112 = %while3A_98) -> (i32)  : i32 {
      %jit3A_113 = arith.constant 2 : i32
      %eq3A = arith.constant 0 : i32
      %eq3A_114 = arith.cmpi eq, %jit3A_113, %eq3A : i32
      %jit3A_115 = arith.constant 1 : i32
      %select_n3A_116 = arith.select %eq3A_114, %jit3A_115, %jit3A_113 : i32
      %rem3A_117 = arith.remsi %while3A_111, %select_n3A_116 : i32
      %ne3A_118 = arith.constant 0 : i32
      %ne3A_119 = arith.cmpi ne, %rem3A_117, %ne3A_118 : i32
      %lt3A = arith.constant 0 : i32
      %lt3A_120 = arith.cmpi slt, %rem3A_117, %lt3A : i32
      %lt3A_121 = arith.constant 0 : i32
      %lt3A_122 = arith.cmpi slt, %select_n3A_116, %lt3A_121 : i32
      %ne3A_123 = arith.xori %lt3A_120, %lt3A_122 : i1
      %and3A_124 = arith.andi %ne3A_123, %ne3A_119 : i1
      %add3A_125 = arith.addi %rem3A_117, %select_n3A_116 : i32
      %select_n3A_126 = arith.select %and3A_124, %add3A_125, %rem3A_117 : i32
      %eq3A_127 = arith.constant 0 : i32
      %eq3A_128 = arith.cmpi eq, %select_n3A_126, %eq3A_127 : i32
      %convert_element_type3A_129 = arith.extui %eq3A_128 : i1 to i32
      %cond3A_130 = arith.constant 0 : i32
      %cond3A_131 = arith.cmpi ne, %convert_element_type3A_129, %cond3A_130 : i32
      scf.if %cond3A_131 {
        %add3A_154 = arith.constant 1 : i32
        %add3A_155 = arith.addi %while3A_111, %add3A_154 : i32
        %lt3A_156 = arith.cmpi slt, %add3A_155, %select_n3A_81 : i32
        %convert_element_type3A_157 = arith.extui %lt3A_156 : i1 to i32
        %cond3A_158 = arith.constant 0 : i32
        %cond3A_159 = arith.cmpi ne, %convert_element_type3A_157, %cond3A_158 : i32
        scf.if %cond3A_159 {
          %ge3A = arith.constant 1 : i32
          %ge3A_175 = arith.cmpi sge, %while3A_111, %ge3A : i32
          %convert_element_type3A_176 = arith.extui %ge3A_175 : i1 to i32
          %cond3A_177 = arith.constant 0 : i32
          %cond3A_178 = arith.cmpi ne, %convert_element_type3A_176, %cond3A_177 : i32
          scf.if %cond3A_178 {
            %dma_wait3A_199 = arith.constant 0 : i32
            %dma_wait3A_200 = arith.constant 0 : i32
            %dma_wait3A_201 = tpu.memref_slice %arg6[%dma_wait3A_199, %dma_wait3A_200] : memref<200000x128xf32, #tpu.memory_space<hbm>> -> memref<200000x128xf32, #tpu.memory_space<hbm>>
            tpu.wait_indirect_dma semaphore(%arg28 : memref<!tpu.dma_semaphore, #tpu.memory_space<semaphore_mem>>) src(%arg22 : memref<64x128xf32, #tpu.memory_space<vmem>>) dst(%dma_wait3A_201 : memref<200000x128xf32, #tpu.memory_space<hbm>>)
            %dma_wait3A_202 = arith.constant 0 : i32
            %dma_wait3A_203 = arith.constant 0 : i32
            %dma_wait3A_204 = tpu.memref_slice %arg6[%dma_wait3A_202, %dma_wait3A_203] : memref<200000x128xf32, #tpu.memory_space<hbm>> -> memref<200000x128xf32, #tpu.memory_space<hbm>>
            tpu.wait_indirect_dma semaphore(%arg28 : memref<!tpu.dma_semaphore, #tpu.memory_space<semaphore_mem>>) src(%arg23 : memref<64x128xf32, #tpu.memory_space<vmem>>) dst(%dma_wait3A_204 : memref<200000x128xf32, #tpu.memory_space<hbm>>)
          } else {
          }
          %add3A_179 = arith.constant 1 : i32
          %add3A_180 = arith.addi %while3A_111, %add3A_179 : i32
          %mul3A_181 = arith.constant 64 : i32
          %mul3A_182 = arith.muli %add3A_180, %mul3A_181 : i32
          %scan3A_183 = arith.constant 0 : i32
          %scan3A_184 = arith.constant 0 : i32
          %scan3A_185 = arith.constant 4 : i32
          %scan3A_186 = arith.addi %scan3A_184, %scan3A_185 : i32
          %scan3A_187 = arith.constant 1 : i32
          %scan3A_188 = scf.for %scan3A_199 = %scan3A_184 to %scan3A_186 step %scan3A_187 iter_args(%scan3A_200 = %scan3A_183) -> (i32)  : i32 {
            %mul3A_201 = arith.constant 16 : i32
            %mul3A_202 = arith.muli %scan3A_199, %mul3A_201 : i32
            %add3A_203 = arith.addi %mul3A_182, %mul3A_202 : i32
            %get3A = arith.index_cast %add3A_203 : i32 to index
            %get3A_204 = tpu.vector_load %arg11[%get3A] {strides = array<i32>} : memref<16384xi32, #tpu.memory_space<vmem>>, vector<16xi32>,
            %mul3A_205 = arith.constant 16 : i32
            %mul3A_206 = arith.muli %scan3A_199, %mul3A_205 : i32
            %swap3A = arith.index_cast %mul3A_206 : i32 to index
            %swap3A_207 = tpu.vector_load %arg19[%swap3A] {strides = array<i32>} : memref<64xi32, #tpu.memory_space<vmem>>, vector<16xi32>,
            tpu.vector_store %arg19[%swap3A], %get3A_204 {strides = array<i32>} : memref<64xi32, #tpu.memory_space<vmem>>, vector<16xi32>,
            %add3A_208 = arith.constant 100000 : i32
            %add3A_209 = vector.broadcast %add3A_208 : i32 to vector<16xi32>
            %add3A_210 = arith.addi %get3A_204, %add3A_209 : vector<16xi32>
            %mul3A_211 = arith.constant 16 : i32
            %mul3A_212 = arith.muli %scan3A_199, %mul3A_211 : i32
            %swap3A_213 = arith.index_cast %mul3A_212 : i32 to index
            %swap3A_214 = tpu.vector_load %arg20[%swap3A_213] {strides = array<i32>} : memref<64xi32, #tpu.memory_space<vmem>>, vector<16xi32>,
            tpu.vector_store %arg20[%swap3A_213], %add3A_210 {strides = array<i32>} : memref<64xi32, #tpu.memory_space<vmem>>, vector<16xi32>,
            %mul3A_215 = arith.constant 16 : i32
            %mul3A_216 = arith.muli %scan3A_199, %mul3A_215 : i32
            %add3A_217 = arith.addi %mul3A_182, %mul3A_216 : i32
            %get3A_218 = arith.index_cast %add3A_217 : i32 to index
            %get3A_219 = tpu.vector_load %arg12[%get3A_218] {strides = array<i32>} : memref<16384xi32, #tpu.memory_space<vmem>>, vector<16xi32>,
            %mul3A_220 = arith.constant 16 : i32
            %mul3A_221 = arith.muli %scan3A_199, %mul3A_220 : i32
            %swap3A_222 = arith.index_cast %mul3A_221 : i32 to index
            %swap3A_223 = tpu.vector_load %arg21[%swap3A_222] {strides = array<i32>} : memref<64xi32, #tpu.memory_space<vmem>>, vector<16xi32>,
            tpu.vector_store %arg21[%swap3A_222], %get3A_219 {strides = array<i32>} : memref<64xi32, #tpu.memory_space<vmem>>, vector<16xi32>,
            %scan3A_224 = arith.constant 0 : i32
            scf.yield %scan3A_224 : i32
          }
          %scan3A_189 = arith.constant 4 : i32
          %dma_start3A_190 = arith.constant 0 : i32
          %dma_start3A_191 = arith.constant 0 : i32
          %dma_start3A_192 = tpu.memref_slice %arg4[%dma_start3A_190, %dma_start3A_191] : memref<100000x128xf32, #tpu.memory_space<hbm>> -> memref<100000x128xf32, #tpu.memory_space<hbm>>
          tpu.enqueue_indirect_dma source(%dma_start3A_192 : memref<100000x128xf32, #tpu.memory_space<hbm>>) target(%arg22 : memref<64x128xf32, #tpu.memory_space<vmem>>) offsets(%arg19 : memref<64xi32, #tpu.memory_space<vmem>>) semaphore(%arg27 : memref<!tpu.dma_semaphore, #tpu.memory_space<semaphore_mem>>)
          %dma_start3A_193 = arith.constant 0 : i32
          %dma_start3A_194 = arith.constant 0 : i32
          %dma_start3A_195 = tpu.memref_slice %arg5[%dma_start3A_193, %dma_start3A_194] : memref<100000x128xf32, #tpu.memory_space<hbm>> -> memref<100000x128xf32, #tpu.memory_space<hbm>>
          tpu.enqueue_indirect_dma source(%dma_start3A_195 : memref<100000x128xf32, #tpu.memory_space<hbm>>) target(%arg23 : memref<64x128xf32, #tpu.memory_space<vmem>>) offsets(%arg19 : memref<64xi32, #tpu.memory_space<vmem>>) semaphore(%arg27 : memref<!tpu.dma_semaphore, #tpu.memory_space<semaphore_mem>>)
          %dma_start3A_196 = arith.constant 0 : i32
          %dma_start3A_197 = arith.constant 0 : i32
          %dma_start3A_198 = tpu.memref_slice %arg3[%dma_start3A_196, %dma_start3A_197] : memref<16384x128xf32, #tpu.memory_space<hbm>> -> memref<16384x128xf32, #tpu.memory_space<hbm>>
          tpu.enqueue_indirect_dma source(%dma_start3A_198 : memref<16384x128xf32, #tpu.memory_space<hbm>>) target(%arg24 : memref<64x128xf32, #tpu.memory_space<vmem>>) offsets(%arg21 : memref<64xi32, #tpu.memory_space<vmem>>) semaphore(%arg27 : memref<!tpu.dma_semaphore, #tpu.memory_space<semaphore_mem>>)
        } else {
        }
        %dma_wait3A = arith.constant 0 : i32
        %dma_wait3A_160 = arith.constant 0 : i32
        %dma_wait3A_161 = tpu.memref_slice %arg4[%dma_wait3A, %dma_wait3A_160] : memref<100000x128xf32, #tpu.memory_space<hbm>> -> memref<100000x128xf32, #tpu.memory_space<hbm>>
        tpu.wait_indirect_dma semaphore(%arg25 : memref<!tpu.dma_semaphore, #tpu.memory_space<semaphore_mem>>) src(%dma_wait3A_161 : memref<100000x128xf32, #tpu.memory_space<hbm>>) dst(%arg16 : memref<64x128xf32, #tpu.memory_space<vmem>>)
        %dma_wait3A_162 = arith.constant 0 : i32
        %dma_wait3A_163 = arith.constant 0 : i32
        %dma_wait3A_164 = tpu.memref_slice %arg5[%dma_wait3A_162, %dma_wait3A_163] : memref<100000x128xf32, #tpu.memory_space<hbm>> -> memref<100000x128xf32, #tpu.memory_space<hbm>>
        tpu.wait_indirect_dma semaphore(%arg25 : memref<!tpu.dma_semaphore, #tpu.memory_space<semaphore_mem>>) src(%dma_wait3A_164 : memref<100000x128xf32, #tpu.memory_space<hbm>>) dst(%arg17 : memref<64x128xf32, #tpu.memory_space<vmem>>)
        %dma_wait3A_165 = arith.constant 0 : i32
        %dma_wait3A_166 = arith.constant 0 : i32
        %dma_wait3A_167 = tpu.memref_slice %arg3[%dma_wait3A_165, %dma_wait3A_166] : memref<16384x128xf32, #tpu.memory_space<hbm>> -> memref<16384x128xf32, #tpu.memory_space<hbm>>
        tpu.wait_indirect_dma semaphore(%arg25 : memref<!tpu.dma_semaphore, #tpu.memory_space<semaphore_mem>>) src(%dma_wait3A_167 : memref<16384x128xf32, #tpu.memory_space<hbm>>) dst(%arg18 : memref<64x128xf32, #tpu.memory_space<vmem>>)
        %parallel_loop3A = arith.constant 0 : i32
        %parallel_loop3A_168 = arith.constant 512 : i32
        %parallel_loop3A_169 = arith.constant 1 : i32
        scf.for %parallel_loop3A_175 = %parallel_loop3A to %parallel_loop3A_168 step %parallel_loop3A_169  : i32 {
          %parallel_loop3A_176 = arith.constant 8 : i32
          %parallel_loop3A_177 = arith.divsi %parallel_loop3A_175, %parallel_loop3A_176 : i32
          %parallel_loop3A_178 = arith.constant 0 : i32
          %parallel_loop3A_179 = arith.cmpi sgt, %parallel_loop3A_175, %parallel_loop3A_178 : i32
          %parallel_loop3A_180 = arith.extui %parallel_loop3A_179 : i1 to i32
          %parallel_loop3A_181 = arith.constant 0 : i32
          %parallel_loop3A_182 = arith.cmpi slt, %parallel_loop3A_175, %parallel_loop3A_181 : i32
          %parallel_loop3A_183 = arith.extui %parallel_loop3A_182 : i1 to i32
          %parallel_loop3A_184 = arith.subi %parallel_loop3A_180, %parallel_loop3A_183 : i32
          %parallel_loop3A_185 = arith.constant 0 : i32
          %parallel_loop3A_186 = arith.cmpi sgt, %parallel_loop3A_176, %parallel_loop3A_185 : i32
          %parallel_loop3A_187 = arith.extui %parallel_loop3A_186 : i1 to i32
          %parallel_loop3A_188 = arith.constant 0 : i32
          %parallel_loop3A_189 = arith.cmpi slt, %parallel_loop3A_176, %parallel_loop3A_188 : i32
          %parallel_loop3A_190 = arith.extui %parallel_loop3A_189 : i1 to i32
          %parallel_loop3A_191 = arith.subi %parallel_loop3A_187, %parallel_loop3A_190 : i32
          %parallel_loop3A_192 = arith.cmpi ne, %parallel_loop3A_184, %parallel_loop3A_191 : i32
          %parallel_loop3A_193 = arith.remsi %parallel_loop3A_175, %parallel_loop3A_176 : i32
          %parallel_loop3A_194 = arith.constant 0 : i32
          %parallel_loop3A_195 = arith.cmpi ne, %parallel_loop3A_193, %parallel_loop3A_194 : i32
          %parallel_loop3A_196 = arith.andi %parallel_loop3A_192, %parallel_loop3A_195 : i1
          %parallel_loop3A_197 = arith.constant 1 : i32
          %parallel_loop3A_198 = arith.subi %parallel_loop3A_177, %parallel_loop3A_197 : i32
          %parallel_loop3A_199 = arith.select %parallel_loop3A_196, %parallel_loop3A_198, %parallel_loop3A_177 : i32
          %parallel_loop3A_200 = arith.constant 8 : i32
          %parallel_loop3A_201 = arith.constant 0 : i32
          %parallel_loop3A_202 = arith.cmpi eq, %parallel_loop3A_200, %parallel_loop3A_201 : i32
          %parallel_loop3A_203 = arith.constant 1 : i32
          %parallel_loop3A_204 = arith.select %parallel_loop3A_202, %parallel_loop3A_203, %parallel_loop3A_200 : i32
          %parallel_loop3A_205 = arith.remsi %parallel_loop3A_175, %parallel_loop3A_204 : i32
          %parallel_loop3A_206 = arith.constant 0 : i32
          %parallel_loop3A_207 = arith.cmpi ne, %parallel_loop3A_205, %parallel_loop3A_206 : i32
          %parallel_loop3A_208 = arith.constant 0 : i32
          %parallel_loop3A_209 = arith.cmpi slt, %parallel_loop3A_205, %parallel_loop3A_208 : i32
          %parallel_loop3A_210 = arith.constant 0 : i32
          %parallel_loop3A_211 = arith.cmpi slt, %parallel_loop3A_204, %parallel_loop3A_210 : i32
          %parallel_loop3A_212 = arith.xori %parallel_loop3A_209, %parallel_loop3A_211 : i1
          %parallel_loop3A_213 = arith.andi %parallel_loop3A_212, %parallel_loop3A_207 : i1
          %parallel_loop3A_214 = arith.addi %parallel_loop3A_205, %parallel_loop3A_204 : i32
          %parallel_loop3A_215 = arith.select %parallel_loop3A_213, %parallel_loop3A_214, %parallel_loop3A_205 : i32
          %parallel_loop3A_216 = arith.constant 16 : i32
          %parallel_loop3A_217 = arith.muli %parallel_loop3A_215, %parallel_loop3A_216 : i32
          %parallel_loop3A_218 = arith.index_cast %parallel_loop3A_199 : i32 to index
          %parallel_loop3A_219 = arith.index_cast %parallel_loop3A_217 : i32 to index
          %parallel_loop3A_220 = tpu.vector_load %arg18[%parallel_loop3A_218, %parallel_loop3A_219] {strides = array<i32>} : memref<64x128xf32, #tpu.memory_space<vmem>>, vector<16xf32>,
          %parallel_loop3A_221 = arith.constant 16 : i32
          %parallel_loop3A_222 = arith.muli %parallel_loop3A_215, %parallel_loop3A_221 : i32
          %parallel_loop3A_223 = arith.index_cast %parallel_loop3A_199 : i32 to index
          %parallel_loop3A_224 = arith.index_cast %parallel_loop3A_222 : i32 to index
          %parallel_loop3A_225 = tpu.vector_load %arg16[%parallel_loop3A_223, %parallel_loop3A_224] {strides = array<i32>} : memref<64x128xf32, #tpu.memory_space<vmem>>, vector<16xf32>,
          %parallel_loop3A_226 = arith.constant 1.000000e+00 : f32
          %parallel_loop3A_227 = vector.broadcast %parallel_loop3A_226 : f32 to vector<16xf32>
          %parallel_loop3A_228 = arith.addf %parallel_loop3A_220, %parallel_loop3A_227 : vector<16xf32>
          %parallel_loop3A_229 = arith.addf %parallel_loop3A_225, %parallel_loop3A_228 : vector<16xf32>
          %parallel_loop3A_230 = arith.constant 16 : i32
          %parallel_loop3A_231 = arith.muli %parallel_loop3A_215, %parallel_loop3A_230 : i32
          %parallel_loop3A_232 = arith.index_cast %parallel_loop3A_199 : i32 to index
          %parallel_loop3A_233 = arith.index_cast %parallel_loop3A_231 : i32 to index
          %parallel_loop3A_234 = tpu.vector_load %arg16[%parallel_loop3A_232, %parallel_loop3A_233] {strides = array<i32>} : memref<64x128xf32, #tpu.memory_space<vmem>>, vector<16xf32>,
          tpu.vector_store %arg16[%parallel_loop3A_232, %parallel_loop3A_233], %parallel_loop3A_229 {strides = array<i32>} : memref<64x128xf32, #tpu.memory_space<vmem>>, vector<16xf32>,
          %parallel_loop3A_235 = arith.constant 16 : i32
          %parallel_loop3A_236 = arith.muli %parallel_loop3A_215, %parallel_loop3A_235 : i32
          %parallel_loop3A_237 = arith.index_cast %parallel_loop3A_199 : i32 to index
          %parallel_loop3A_238 = arith.index_cast %parallel_loop3A_236 : i32 to index
          %parallel_loop3A_239 = tpu.vector_load %arg17[%parallel_loop3A_237, %parallel_loop3A_238] {strides = array<i32>} : memref<64x128xf32, #tpu.memory_space<vmem>>, vector<16xf32>,
          %parallel_loop3A_240 = arith.mulf %parallel_loop3A_220, %parallel_loop3A_220 : vector<16xf32>
          %parallel_loop3A_241 = arith.addf %parallel_loop3A_239, %parallel_loop3A_240 : vector<16xf32>
          %parallel_loop3A_242 = arith.constant 16 : i32
          %parallel_loop3A_243 = arith.muli %parallel_loop3A_215, %parallel_loop3A_242 : i32
          %parallel_loop3A_244 = arith.index_cast %parallel_loop3A_199 : i32 to index
          %parallel_loop3A_245 = arith.index_cast %parallel_loop3A_243 : i32 to index
          %parallel_loop3A_246 = tpu.vector_load %arg17[%parallel_loop3A_244, %parallel_loop3A_245] {strides = array<i32>} : memref<64x128xf32, #tpu.memory_space<vmem>>, vector<16xf32>,
          tpu.vector_store %arg17[%parallel_loop3A_244, %parallel_loop3A_245], %parallel_loop3A_241 {strides = array<i32>} : memref<64x128xf32, #tpu.memory_space<vmem>>, vector<16xf32>,
        } {sc.loop_unroll_factor = 4 : i64, sc.parallel_access}
        %dma_start3A = arith.constant 0 : i32
        %dma_start3A_170 = arith.constant 0 : i32
        %dma_start3A_171 = tpu.memref_slice %arg6[%dma_start3A, %dma_start3A_170] : memref<200000x128xf32, #tpu.memory_space<hbm>> -> memref<200000x128xf32, #tpu.memory_space<hbm>>
        tpu.enqueue_indirect_dma source(%arg16 : memref<64x128xf32, #tpu.memory_space<vmem>>) target(%dma_start3A_171 : memref<200000x128xf32, #tpu.memory_space<hbm>>) offsets(%arg13 : memref<64xi32, #tpu.memory_space<vmem>>) semaphore(%arg26 : memref<!tpu.dma_semaphore, #tpu.memory_space<semaphore_mem>>)
        %dma_start3A_172 = arith.constant 0 : i32
        %dma_start3A_173 = arith.constant 0 : i32
        %dma_start3A_174 = tpu.memref_slice %arg6[%dma_start3A_172, %dma_start3A_173] : memref<200000x128xf32, #tpu.memory_space<hbm>> -> memref<200000x128xf32, #tpu.memory_space<hbm>>
        tpu.enqueue_indirect_dma source(%arg17 : memref<64x128xf32, #tpu.memory_space<vmem>>) target(%dma_start3A_174 : memref<200000x128xf32, #tpu.memory_space<hbm>>) offsets(%arg14 : memref<64xi32, #tpu.memory_space<vmem>>) semaphore(%arg26 : memref<!tpu.dma_semaphore, #tpu.memory_space<semaphore_mem>>)
      } else {
      }
      %jit3A_132 = arith.constant 2 : i32
      %eq3A_133 = arith.constant 0 : i32
      %eq3A_134 = arith.cmpi eq, %jit3A_132, %eq3A_133 : i32
      %jit3A_135 = arith.constant 1 : i32
      %select_n3A_136 = arith.select %eq3A_134, %jit3A_135, %jit3A_132 : i32
      %rem3A_137 = arith.remsi %while3A_111, %select_n3A_136 : i32
      %ne3A_138 = arith.constant 0 : i32
      %ne3A_139 = arith.cmpi ne, %rem3A_137, %ne3A_138 : i32
      %lt3A_140 = arith.constant 0 : i32
      %lt3A_141 = arith.cmpi slt, %rem3A_137, %lt3A_140 : i32
      %lt3A_142 = arith.constant 0 : i32
      %lt3A_143 = arith.cmpi slt, %select_n3A_136, %lt3A_142 : i32
      %ne3A_144 = arith.xori %lt3A_141, %lt3A_143 : i1
      %and3A_145 = arith.andi %ne3A_144, %ne3A_139 : i1
      %add3A_146 = arith.addi %rem3A_137, %select_n3A_136 : i32
      %select_n3A_147 = arith.select %and3A_145, %add3A_146, %rem3A_137 : i32
      %eq3A_148 = arith.constant 1 : i32
      %eq3A_149 = arith.cmpi eq, %select_n3A_147, %eq3A_148 : i32
      %convert_element_type3A_150 = arith.extui %eq3A_149 : i1 to i32
      %cond3A_151 = arith.constant 0 : i32
      %cond3A_152 = arith.cmpi ne, %convert_element_type3A_150, %cond3A_151 : i32
      scf.if %cond3A_152 {
        %add3A_154 = arith.constant 1 : i32
        %add3A_155 = arith.addi %while3A_111, %add3A_154 : i32
        %lt3A_156 = arith.cmpi slt, %add3A_155, %select_n3A_81 : i32
        %convert_element_type3A_157 = arith.extui %lt3A_156 : i1 to i32
        %cond3A_158 = arith.constant 0 : i32
        %cond3A_159 = arith.cmpi ne, %convert_element_type3A_157, %cond3A_158 : i32
        scf.if %cond3A_159 {
          %ge3A = arith.constant 1 : i32
          %ge3A_175 = arith.cmpi sge, %while3A_111, %ge3A : i32
          %convert_element_type3A_176 = arith.extui %ge3A_175 : i1 to i32
          %cond3A_177 = arith.constant 0 : i32
          %cond3A_178 = arith.cmpi ne, %convert_element_type3A_176, %cond3A_177 : i32
          scf.if %cond3A_178 {
            %dma_wait3A_199 = arith.constant 0 : i32
            %dma_wait3A_200 = arith.constant 0 : i32
            %dma_wait3A_201 = tpu.memref_slice %arg6[%dma_wait3A_199, %dma_wait3A_200] : memref<200000x128xf32, #tpu.memory_space<hbm>> -> memref<200000x128xf32, #tpu.memory_space<hbm>>
            tpu.wait_indirect_dma semaphore(%arg26 : memref<!tpu.dma_semaphore, #tpu.memory_space<semaphore_mem>>) src(%arg16 : memref<64x128xf32, #tpu.memory_space<vmem>>) dst(%dma_wait3A_201 : memref<200000x128xf32, #tpu.memory_space<hbm>>)
            %dma_wait3A_202 = arith.constant 0 : i32
            %dma_wait3A_203 = arith.constant 0 : i32
            %dma_wait3A_204 = tpu.memref_slice %arg6[%dma_wait3A_202, %dma_wait3A_203] : memref<200000x128xf32, #tpu.memory_space<hbm>> -> memref<200000x128xf32, #tpu.memory_space<hbm>>
            tpu.wait_indirect_dma semaphore(%arg26 : memref<!tpu.dma_semaphore, #tpu.memory_space<semaphore_mem>>) src(%arg17 : memref<64x128xf32, #tpu.memory_space<vmem>>) dst(%dma_wait3A_204 : memref<200000x128xf32, #tpu.memory_space<hbm>>)
          } else {
          }
          %add3A_179 = arith.constant 1 : i32
          %add3A_180 = arith.addi %while3A_111, %add3A_179 : i32
          %mul3A_181 = arith.constant 64 : i32
          %mul3A_182 = arith.muli %add3A_180, %mul3A_181 : i32
          %scan3A_183 = arith.constant 0 : i32
          %scan3A_184 = arith.constant 0 : i32
          %scan3A_185 = arith.constant 4 : i32
          %scan3A_186 = arith.addi %scan3A_184, %scan3A_185 : i32
          %scan3A_187 = arith.constant 1 : i32
          %scan3A_188 = scf.for %scan3A_199 = %scan3A_184 to %scan3A_186 step %scan3A_187 iter_args(%scan3A_200 = %scan3A_183) -> (i32)  : i32 {
            %mul3A_201 = arith.constant 16 : i32
            %mul3A_202 = arith.muli %scan3A_199, %mul3A_201 : i32
            %add3A_203 = arith.addi %mul3A_182, %mul3A_202 : i32
            %get3A = arith.index_cast %add3A_203 : i32 to index
            %get3A_204 = tpu.vector_load %arg11[%get3A] {strides = array<i32>} : memref<16384xi32, #tpu.memory_space<vmem>>, vector<16xi32>,
            %mul3A_205 = arith.constant 16 : i32
            %mul3A_206 = arith.muli %scan3A_199, %mul3A_205 : i32
            %swap3A = arith.index_cast %mul3A_206 : i32 to index
            %swap3A_207 = tpu.vector_load %arg13[%swap3A] {strides = array<i32>} : memref<64xi32, #tpu.memory_space<vmem>>, vector<16xi32>,
            tpu.vector_store %arg13[%swap3A], %get3A_204 {strides = array<i32>} : memref<64xi32, #tpu.memory_space<vmem>>, vector<16xi32>,
            %add3A_208 = arith.constant 100000 : i32
            %add3A_209 = vector.broadcast %add3A_208 : i32 to vector<16xi32>
            %add3A_210 = arith.addi %get3A_204, %add3A_209 : vector<16xi32>
            %mul3A_211 = arith.constant 16 : i32
            %mul3A_212 = arith.muli %scan3A_199, %mul3A_211 : i32
            %swap3A_213 = arith.index_cast %mul3A_212 : i32 to index
            %swap3A_214 = tpu.vector_load %arg14[%swap3A_213] {strides = array<i32>} : memref<64xi32, #tpu.memory_space<vmem>>, vector<16xi32>,
            tpu.vector_store %arg14[%swap3A_213], %add3A_210 {strides = array<i32>} : memref<64xi32, #tpu.memory_space<vmem>>, vector<16xi32>,
            %mul3A_215 = arith.constant 16 : i32
            %mul3A_216 = arith.muli %scan3A_199, %mul3A_215 : i32
            %add3A_217 = arith.addi %mul3A_182, %mul3A_216 : i32
            %get3A_218 = arith.index_cast %add3A_217 : i32 to index
            %get3A_219 = tpu.vector_load %arg12[%get3A_218] {strides = array<i32>} : memref<16384xi32, #tpu.memory_space<vmem>>, vector<16xi32>,
            %mul3A_220 = arith.constant 16 : i32
            %mul3A_221 = arith.muli %scan3A_199, %mul3A_220 : i32
            %swap3A_222 = arith.index_cast %mul3A_221 : i32 to index
            %swap3A_223 = tpu.vector_load %arg15[%swap3A_222] {strides = array<i32>} : memref<64xi32, #tpu.memory_space<vmem>>, vector<16xi32>,
            tpu.vector_store %arg15[%swap3A_222], %get3A_219 {strides = array<i32>} : memref<64xi32, #tpu.memory_space<vmem>>, vector<16xi32>,
            %scan3A_224 = arith.constant 0 : i32
            scf.yield %scan3A_224 : i32
          }
          %scan3A_189 = arith.constant 4 : i32
          %dma_start3A_190 = arith.constant 0 : i32
          %dma_start3A_191 = arith.constant 0 : i32
          %dma_start3A_192 = tpu.memref_slice %arg4[%dma_start3A_190, %dma_start3A_191] : memref<100000x128xf32, #tpu.memory_space<hbm>> -> memref<100000x128xf32, #tpu.memory_space<hbm>>
          tpu.enqueue_indirect_dma source(%dma_start3A_192 : memref<100000x128xf32, #tpu.memory_space<hbm>>) target(%arg16 : memref<64x128xf32, #tpu.memory_space<vmem>>) offsets(%arg13 : memref<64xi32, #tpu.memory_space<vmem>>) semaphore(%arg25 : memref<!tpu.dma_semaphore, #tpu.memory_space<semaphore_mem>>)
          %dma_start3A_193 = arith.constant 0 : i32
          %dma_start3A_194 = arith.constant 0 : i32
          %dma_start3A_195 = tpu.memref_slice %arg5[%dma_start3A_193, %dma_start3A_194] : memref<100000x128xf32, #tpu.memory_space<hbm>> -> memref<100000x128xf32, #tpu.memory_space<hbm>>
          tpu.enqueue_indirect_dma source(%dma_start3A_195 : memref<100000x128xf32, #tpu.memory_space<hbm>>) target(%arg17 : memref<64x128xf32, #tpu.memory_space<vmem>>) offsets(%arg13 : memref<64xi32, #tpu.memory_space<vmem>>) semaphore(%arg25 : memref<!tpu.dma_semaphore, #tpu.memory_space<semaphore_mem>>)
          %dma_start3A_196 = arith.constant 0 : i32
          %dma_start3A_197 = arith.constant 0 : i32
          %dma_start3A_198 = tpu.memref_slice %arg3[%dma_start3A_196, %dma_start3A_197] : memref<16384x128xf32, #tpu.memory_space<hbm>> -> memref<16384x128xf32, #tpu.memory_space<hbm>>
          tpu.enqueue_indirect_dma source(%dma_start3A_198 : memref<16384x128xf32, #tpu.memory_space<hbm>>) target(%arg18 : memref<64x128xf32, #tpu.memory_space<vmem>>) offsets(%arg15 : memref<64xi32, #tpu.memory_space<vmem>>) semaphore(%arg25 : memref<!tpu.dma_semaphore, #tpu.memory_space<semaphore_mem>>)
        } else {
        }
        %dma_wait3A = arith.constant 0 : i32
        %dma_wait3A_160 = arith.constant 0 : i32
        %dma_wait3A_161 = tpu.memref_slice %arg4[%dma_wait3A, %dma_wait3A_160] : memref<100000x128xf32, #tpu.memory_space<hbm>> -> memref<100000x128xf32, #tpu.memory_space<hbm>>
        tpu.wait_indirect_dma semaphore(%arg27 : memref<!tpu.dma_semaphore, #tpu.memory_space<semaphore_mem>>) src(%dma_wait3A_161 : memref<100000x128xf32, #tpu.memory_space<hbm>>) dst(%arg22 : memref<64x128xf32, #tpu.memory_space<vmem>>)
        %dma_wait3A_162 = arith.constant 0 : i32
        %dma_wait3A_163 = arith.constant 0 : i32
        %dma_wait3A_164 = tpu.memref_slice %arg5[%dma_wait3A_162, %dma_wait3A_163] : memref<100000x128xf32, #tpu.memory_space<hbm>> -> memref<100000x128xf32, #tpu.memory_space<hbm>>
        tpu.wait_indirect_dma semaphore(%arg27 : memref<!tpu.dma_semaphore, #tpu.memory_space<semaphore_mem>>) src(%dma_wait3A_164 : memref<100000x128xf32, #tpu.memory_space<hbm>>) dst(%arg23 : memref<64x128xf32, #tpu.memory_space<vmem>>)
        %dma_wait3A_165 = arith.constant 0 : i32
        %dma_wait3A_166 = arith.constant 0 : i32
        %dma_wait3A_167 = tpu.memref_slice %arg3[%dma_wait3A_165, %dma_wait3A_166] : memref<16384x128xf32, #tpu.memory_space<hbm>> -> memref<16384x128xf32, #tpu.memory_space<hbm>>
        tpu.wait_indirect_dma semaphore(%arg27 : memref<!tpu.dma_semaphore, #tpu.memory_space<semaphore_mem>>) src(%dma_wait3A_167 : memref<16384x128xf32, #tpu.memory_space<hbm>>) dst(%arg24 : memref<64x128xf32, #tpu.memory_space<vmem>>)
        %parallel_loop3A = arith.constant 0 : i32
        %parallel_loop3A_168 = arith.constant 512 : i32
        %parallel_loop3A_169 = arith.constant 1 : i32
        scf.for %parallel_loop3A_175 = %parallel_loop3A to %parallel_loop3A_168 step %parallel_loop3A_169  : i32 {
          %parallel_loop3A_176 = arith.constant 8 : i32
          %parallel_loop3A_177 = arith.divsi %parallel_loop3A_175, %parallel_loop3A_176 : i32
          %parallel_loop3A_178 = arith.constant 0 : i32
          %parallel_loop3A_179 = arith.cmpi sgt, %parallel_loop3A_175, %parallel_loop3A_178 : i32
          %parallel_loop3A_180 = arith.extui %parallel_loop3A_179 : i1 to i32
          %parallel_loop3A_181 = arith.constant 0 : i32
          %parallel_loop3A_182 = arith.cmpi slt, %parallel_loop3A_175, %parallel_loop3A_181 : i32
          %parallel_loop3A_183 = arith.extui %parallel_loop3A_182 : i1 to i32
          %parallel_loop3A_184 = arith.subi %parallel_loop3A_180, %parallel_loop3A_183 : i32
          %parallel_loop3A_185 = arith.constant 0 : i32
          %parallel_loop3A_186 = arith.cmpi sgt, %parallel_loop3A_176, %parallel_loop3A_185 : i32
          %parallel_loop3A_187 = arith.extui %parallel_loop3A_186 : i1 to i32
          %parallel_loop3A_188 = arith.constant 0 : i32
          %parallel_loop3A_189 = arith.cmpi slt, %parallel_loop3A_176, %parallel_loop3A_188 : i32
          %parallel_loop3A_190 = arith.extui %parallel_loop3A_189 : i1 to i32
          %parallel_loop3A_191 = arith.subi %parallel_loop3A_187, %parallel_loop3A_190 : i32
          %parallel_loop3A_192 = arith.cmpi ne, %parallel_loop3A_184, %parallel_loop3A_191 : i32
          %parallel_loop3A_193 = arith.remsi %parallel_loop3A_175, %parallel_loop3A_176 : i32
          %parallel_loop3A_194 = arith.constant 0 : i32
          %parallel_loop3A_195 = arith.cmpi ne, %parallel_loop3A_193, %parallel_loop3A_194 : i32
          %parallel_loop3A_196 = arith.andi %parallel_loop3A_192, %parallel_loop3A_195 : i1
          %parallel_loop3A_197 = arith.constant 1 : i32
          %parallel_loop3A_198 = arith.subi %parallel_loop3A_177, %parallel_loop3A_197 : i32
          %parallel_loop3A_199 = arith.select %parallel_loop3A_196, %parallel_loop3A_198, %parallel_loop3A_177 : i32
          %parallel_loop3A_200 = arith.constant 8 : i32
          %parallel_loop3A_201 = arith.constant 0 : i32
          %parallel_loop3A_202 = arith.cmpi eq, %parallel_loop3A_200, %parallel_loop3A_201 : i32
          %parallel_loop3A_203 = arith.constant 1 : i32
          %parallel_loop3A_204 = arith.select %parallel_loop3A_202, %parallel_loop3A_203, %parallel_loop3A_200 : i32
          %parallel_loop3A_205 = arith.remsi %parallel_loop3A_175, %parallel_loop3A_204 : i32
          %parallel_loop3A_206 = arith.constant 0 : i32
          %parallel_loop3A_207 = arith.cmpi ne, %parallel_loop3A_205, %parallel_loop3A_206 : i32
          %parallel_loop3A_208 = arith.constant 0 : i32
          %parallel_loop3A_209 = arith.cmpi slt, %parallel_loop3A_205, %parallel_loop3A_208 : i32
          %parallel_loop3A_210 = arith.constant 0 : i32
          %parallel_loop3A_211 = arith.cmpi slt, %parallel_loop3A_204, %parallel_loop3A_210 : i32
          %parallel_loop3A_212 = arith.xori %parallel_loop3A_209, %parallel_loop3A_211 : i1
          %parallel_loop3A_213 = arith.andi %parallel_loop3A_212, %parallel_loop3A_207 : i1
          %parallel_loop3A_214 = arith.addi %parallel_loop3A_205, %parallel_loop3A_204 : i32
          %parallel_loop3A_215 = arith.select %parallel_loop3A_213, %parallel_loop3A_214, %parallel_loop3A_205 : i32
          %parallel_loop3A_216 = arith.constant 16 : i32
          %parallel_loop3A_217 = arith.muli %parallel_loop3A_215, %parallel_loop3A_216 : i32
          %parallel_loop3A_218 = arith.index_cast %parallel_loop3A_199 : i32 to index
          %parallel_loop3A_219 = arith.index_cast %parallel_loop3A_217 : i32 to index
          %parallel_loop3A_220 = tpu.vector_load %arg24[%parallel_loop3A_218, %parallel_loop3A_219] {strides = array<i32>} : memref<64x128xf32, #tpu.memory_space<vmem>>, vector<16xf32>,
          %parallel_loop3A_221 = arith.constant 16 : i32
          %parallel_loop3A_222 = arith.muli %parallel_loop3A_215, %parallel_loop3A_221 : i32
          %parallel_loop3A_223 = arith.index_cast %parallel_loop3A_199 : i32 to index
          %parallel_loop3A_224 = arith.index_cast %parallel_loop3A_222 : i32 to index
          %parallel_loop3A_225 = tpu.vector_load %arg22[%parallel_loop3A_223, %parallel_loop3A_224] {strides = array<i32>} : memref<64x128xf32, #tpu.memory_space<vmem>>, vector<16xf32>,
          %parallel_loop3A_226 = arith.constant 1.000000e+00 : f32
          %parallel_loop3A_227 = vector.broadcast %parallel_loop3A_226 : f32 to vector<16xf32>
          %parallel_loop3A_228 = arith.addf %parallel_loop3A_220, %parallel_loop3A_227 : vector<16xf32>
          %parallel_loop3A_229 = arith.addf %parallel_loop3A_225, %parallel_loop3A_228 : vector<16xf32>
          %parallel_loop3A_230 = arith.constant 16 : i32
          %parallel_loop3A_231 = arith.muli %parallel_loop3A_215, %parallel_loop3A_230 : i32
          %parallel_loop3A_232 = arith.index_cast %parallel_loop3A_199 : i32 to index
          %parallel_loop3A_233 = arith.index_cast %parallel_loop3A_231 : i32 to index
          %parallel_loop3A_234 = tpu.vector_load %arg22[%parallel_loop3A_232, %parallel_loop3A_233] {strides = array<i32>} : memref<64x128xf32, #tpu.memory_space<vmem>>, vector<16xf32>,
          tpu.vector_store %arg22[%parallel_loop3A_232, %parallel_loop3A_233], %parallel_loop3A_229 {strides = array<i32>} : memref<64x128xf32, #tpu.memory_space<vmem>>, vector<16xf32>,
          %parallel_loop3A_235 = arith.constant 16 : i32
          %parallel_loop3A_236 = arith.muli %parallel_loop3A_215, %parallel_loop3A_235 : i32
          %parallel_loop3A_237 = arith.index_cast %parallel_loop3A_199 : i32 to index
          %parallel_loop3A_238 = arith.index_cast %parallel_loop3A_236 : i32 to index
          %parallel_loop3A_239 = tpu.vector_load %arg23[%parallel_loop3A_237, %parallel_loop3A_238] {strides = array<i32>} : memref<64x128xf32, #tpu.memory_space<vmem>>, vector<16xf32>,
          %parallel_loop3A_240 = arith.mulf %parallel_loop3A_220, %parallel_loop3A_220 : vector<16xf32>
          %parallel_loop3A_241 = arith.addf %parallel_loop3A_239, %parallel_loop3A_240 : vector<16xf32>
          %parallel_loop3A_242 = arith.constant 16 : i32
          %parallel_loop3A_243 = arith.muli %parallel_loop3A_215, %parallel_loop3A_242 : i32
          %parallel_loop3A_244 = arith.index_cast %parallel_loop3A_199 : i32 to index
          %parallel_loop3A_245 = arith.index_cast %parallel_loop3A_243 : i32 to index
          %parallel_loop3A_246 = tpu.vector_load %arg23[%parallel_loop3A_244, %parallel_loop3A_245] {strides = array<i32>} : memref<64x128xf32, #tpu.memory_space<vmem>>, vector<16xf32>,
          tpu.vector_store %arg23[%parallel_loop3A_244, %parallel_loop3A_245], %parallel_loop3A_241 {strides = array<i32>} : memref<64x128xf32, #tpu.memory_space<vmem>>, vector<16xf32>,
        } {sc.loop_unroll_factor = 4 : i64, sc.parallel_access}
        %dma_start3A = arith.constant 0 : i32
        %dma_start3A_170 = arith.constant 0 : i32
        %dma_start3A_171 = tpu.memref_slice %arg6[%dma_start3A, %dma_start3A_170] : memref<200000x128xf32, #tpu.memory_space<hbm>> -> memref<200000x128xf32, #tpu.memory_space<hbm>>
        tpu.enqueue_indirect_dma source(%arg22 : memref<64x128xf32, #tpu.memory_space<vmem>>) target(%dma_start3A_171 : memref<200000x128xf32, #tpu.memory_space<hbm>>) offsets(%arg19 : memref<64xi32, #tpu.memory_space<vmem>>) semaphore(%arg28 : memref<!tpu.dma_semaphore, #tpu.memory_space<semaphore_mem>>)
        %dma_start3A_172 = arith.constant 0 : i32
        %dma_start3A_173 = arith.constant 0 : i32
        %dma_start3A_174 = tpu.memref_slice %arg6[%dma_start3A_172, %dma_start3A_173] : memref<200000x128xf32, #tpu.memory_space<hbm>> -> memref<200000x128xf32, #tpu.memory_space<hbm>>
        tpu.enqueue_indirect_dma source(%arg23 : memref<64x128xf32, #tpu.memory_space<vmem>>) target(%dma_start3A_174 : memref<200000x128xf32, #tpu.memory_space<hbm>>) offsets(%arg20 : memref<64xi32, #tpu.memory_space<vmem>>) semaphore(%arg28 : memref<!tpu.dma_semaphore, #tpu.memory_space<semaphore_mem>>)
      } else {
      }
      %while3A_153 = arith.constant 0 : i32
      scf.yield %while3A_153 : i32
    }
    %gt3A_101 = arith.constant 0 : i32
    %gt3A_102 = arith.cmpi sgt, %select_n3A_81, %gt3A_101 : i32
    %convert_element_type3A_103 = arith.extui %gt3A_102 : i1 to i32
    %cond3A_104 = arith.constant 0 : i32
    %cond3A_105 = arith.cmpi ne, %convert_element_type3A_103, %cond3A_104 : i32
    scf.if %cond3A_105 {
      %sub3A_111 = arith.constant 1 : i32
      %sub3A_112 = arith.subi %select_n3A_81, %sub3A_111 : i32
      %jit3A_113 = arith.constant 2 : i32
      %eq3A = arith.constant 0 : i32
      %eq3A_114 = arith.cmpi eq, %jit3A_113, %eq3A : i32
      %jit3A_115 = arith.constant 1 : i32
      %select_n3A_116 = arith.select %eq3A_114, %jit3A_115, %jit3A_113 : i32
      %rem3A_117 = arith.remsi %sub3A_112, %select_n3A_116 : i32
      %ne3A_118 = arith.constant 0 : i32
      %ne3A_119 = arith.cmpi ne, %rem3A_117, %ne3A_118 : i32
      %lt3A = arith.constant 0 : i32
      %lt3A_120 = arith.cmpi slt, %rem3A_117, %lt3A : i32
      %lt3A_121 = arith.constant 0 : i32
      %lt3A_122 = arith.cmpi slt, %select_n3A_116, %lt3A_121 : i32
      %ne3A_123 = arith.xori %lt3A_120, %lt3A_122 : i1
      %and3A_124 = arith.andi %ne3A_123, %ne3A_119 : i1
      %add3A_125 = arith.addi %rem3A_117, %select_n3A_116 : i32
      %select_n3A_126 = arith.select %and3A_124, %add3A_125, %rem3A_117 : i32
      %eq3A_127 = arith.constant 0 : i32
      %eq3A_128 = arith.cmpi eq, %select_n3A_126, %eq3A_127 : i32
      %convert_element_type3A_129 = arith.extui %eq3A_128 : i1 to i32
      %cond3A_130 = arith.constant 0 : i32
      %cond3A_131 = arith.cmpi ne, %convert_element_type3A_129, %cond3A_130 : i32
      scf.if %cond3A_131 {
        %dma_wait3A = arith.constant 0 : i32
        %dma_wait3A_153 = arith.constant 0 : i32
        %dma_wait3A_154 = tpu.memref_slice %arg6[%dma_wait3A, %dma_wait3A_153] : memref<200000x128xf32, #tpu.memory_space<hbm>> -> memref<200000x128xf32, #tpu.memory_space<hbm>>
        tpu.wait_indirect_dma semaphore(%arg26 : memref<!tpu.dma_semaphore, #tpu.memory_space<semaphore_mem>>) src(%arg16 : memref<64x128xf32, #tpu.memory_space<vmem>>) dst(%dma_wait3A_154 : memref<200000x128xf32, #tpu.memory_space<hbm>>)
        %dma_wait3A_155 = arith.constant 0 : i32
        %dma_wait3A_156 = arith.constant 0 : i32
        %dma_wait3A_157 = tpu.memref_slice %arg6[%dma_wait3A_155, %dma_wait3A_156] : memref<200000x128xf32, #tpu.memory_space<hbm>> -> memref<200000x128xf32, #tpu.memory_space<hbm>>
        tpu.wait_indirect_dma semaphore(%arg26 : memref<!tpu.dma_semaphore, #tpu.memory_space<semaphore_mem>>) src(%arg17 : memref<64x128xf32, #tpu.memory_space<vmem>>) dst(%dma_wait3A_157 : memref<200000x128xf32, #tpu.memory_space<hbm>>)
      } else {
      }
      %jit3A_132 = arith.constant 2 : i32
      %eq3A_133 = arith.constant 0 : i32
      %eq3A_134 = arith.cmpi eq, %jit3A_132, %eq3A_133 : i32
      %jit3A_135 = arith.constant 1 : i32
      %select_n3A_136 = arith.select %eq3A_134, %jit3A_135, %jit3A_132 : i32
      %rem3A_137 = arith.remsi %sub3A_112, %select_n3A_136 : i32
      %ne3A_138 = arith.constant 0 : i32
      %ne3A_139 = arith.cmpi ne, %rem3A_137, %ne3A_138 : i32
      %lt3A_140 = arith.constant 0 : i32
      %lt3A_141 = arith.cmpi slt, %rem3A_137, %lt3A_140 : i32
      %lt3A_142 = arith.constant 0 : i32
      %lt3A_143 = arith.cmpi slt, %select_n3A_136, %lt3A_142 : i32
      %ne3A_144 = arith.xori %lt3A_141, %lt3A_143 : i1
      %and3A_145 = arith.andi %ne3A_144, %ne3A_139 : i1
      %add3A_146 = arith.addi %rem3A_137, %select_n3A_136 : i32
      %select_n3A_147 = arith.select %and3A_145, %add3A_146, %rem3A_137 : i32
      %eq3A_148 = arith.constant 1 : i32
      %eq3A_149 = arith.cmpi eq, %select_n3A_147, %eq3A_148 : i32
      %convert_element_type3A_150 = arith.extui %eq3A_149 : i1 to i32
      %cond3A_151 = arith.constant 0 : i32
      %cond3A_152 = arith.cmpi ne, %convert_element_type3A_150, %cond3A_151 : i32
      scf.if %cond3A_152 {
        %dma_wait3A = arith.constant 0 : i32
        %dma_wait3A_153 = arith.constant 0 : i32
        %dma_wait3A_154 = tpu.memref_slice %arg6[%dma_wait3A, %dma_wait3A_153] : memref<200000x128xf32, #tpu.memory_space<hbm>> -> memref<200000x128xf32, #tpu.memory_space<hbm>>
        tpu.wait_indirect_dma semaphore(%arg28 : memref<!tpu.dma_semaphore, #tpu.memory_space<semaphore_mem>>) src(%arg22 : memref<64x128xf32, #tpu.memory_space<vmem>>) dst(%dma_wait3A_154 : memref<200000x128xf32, #tpu.memory_space<hbm>>)
        %dma_wait3A_155 = arith.constant 0 : i32
        %dma_wait3A_156 = arith.constant 0 : i32
        %dma_wait3A_157 = tpu.memref_slice %arg6[%dma_wait3A_155, %dma_wait3A_156] : memref<200000x128xf32, #tpu.memory_space<hbm>> -> memref<200000x128xf32, #tpu.memory_space<hbm>>
        tpu.wait_indirect_dma semaphore(%arg28 : memref<!tpu.dma_semaphore, #tpu.memory_space<semaphore_mem>>) src(%arg23 : memref<64x128xf32, #tpu.memory_space<vmem>>) dst(%dma_wait3A_157 : memref<200000x128xf32, #tpu.memory_space<hbm>>)
      } else {
      }
    } else {
    }
    %gt3A_106 = arith.constant 1 : i32
    %gt3A_107 = arith.cmpi sgt, %select_n3A_81, %gt3A_106 : i32
    %convert_element_type3A_108 = arith.extui %gt3A_107 : i1 to i32
    %cond3A_109 = arith.constant 0 : i32
    %cond3A_110 = arith.cmpi ne, %convert_element_type3A_108, %cond3A_109 : i32
    scf.if %cond3A_110 {
      %sub3A_111 = arith.constant 2 : i32
      %sub3A_112 = arith.subi %select_n3A_81, %sub3A_111 : i32
      %jit3A_113 = arith.constant 2 : i32
      %eq3A = arith.constant 0 : i32
      %eq3A_114 = arith.cmpi eq, %jit3A_113, %eq3A : i32
      %jit3A_115 = arith.constant 1 : i32
      %select_n3A_116 = arith.select %eq3A_114, %jit3A_115, %jit3A_113 : i32
      %rem3A_117 = arith.remsi %sub3A_112, %select_n3A_116 : i32
      %ne3A_118 = arith.constant 0 : i32
      %ne3A_119 = arith.cmpi ne, %rem3A_117, %ne3A_118 : i32
      %lt3A = arith.constant 0 : i32
      %lt3A_120 = arith.cmpi slt, %rem3A_117, %lt3A : i32
      %lt3A_121 = arith.constant 0 : i32
      %lt3A_122 = arith.cmpi slt, %select_n3A_116, %lt3A_121 : i32
      %ne3A_123 = arith.xori %lt3A_120, %lt3A_122 : i1
      %and3A_124 = arith.andi %ne3A_123, %ne3A_119 : i1
      %add3A_125 = arith.addi %rem3A_117, %select_n3A_116 : i32
      %select_n3A_126 = arith.select %and3A_124, %add3A_125, %rem3A_117 : i32
      %eq3A_127 = arith.constant 0 : i32
      %eq3A_128 = arith.cmpi eq, %select_n3A_126, %eq3A_127 : i32
      %convert_element_type3A_129 = arith.extui %eq3A_128 : i1 to i32
      %cond3A_130 = arith.constant 0 : i32
      %cond3A_131 = arith.cmpi ne, %convert_element_type3A_129, %cond3A_130 : i32
      scf.if %cond3A_131 {
        %dma_wait3A = arith.constant 0 : i32
        %dma_wait3A_153 = arith.constant 0 : i32
        %dma_wait3A_154 = tpu.memref_slice %arg6[%dma_wait3A, %dma_wait3A_153] : memref<200000x128xf32, #tpu.memory_space<hbm>> -> memref<200000x128xf32, #tpu.memory_space<hbm>>
        tpu.wait_indirect_dma semaphore(%arg26 : memref<!tpu.dma_semaphore, #tpu.memory_space<semaphore_mem>>) src(%arg16 : memref<64x128xf32, #tpu.memory_space<vmem>>) dst(%dma_wait3A_154 : memref<200000x128xf32, #tpu.memory_space<hbm>>)
        %dma_wait3A_155 = arith.constant 0 : i32
        %dma_wait3A_156 = arith.constant 0 : i32
        %dma_wait3A_157 = tpu.memref_slice %arg6[%dma_wait3A_155, %dma_wait3A_156] : memref<200000x128xf32, #tpu.memory_space<hbm>> -> memref<200000x128xf32, #tpu.memory_space<hbm>>
        tpu.wait_indirect_dma semaphore(%arg26 : memref<!tpu.dma_semaphore, #tpu.memory_space<semaphore_mem>>) src(%arg17 : memref<64x128xf32, #tpu.memory_space<vmem>>) dst(%dma_wait3A_157 : memref<200000x128xf32, #tpu.memory_space<hbm>>)
      } else {
      }
      %jit3A_132 = arith.constant 2 : i32
      %eq3A_133 = arith.constant 0 : i32
      %eq3A_134 = arith.cmpi eq, %jit3A_132, %eq3A_133 : i32
      %jit3A_135 = arith.constant 1 : i32
      %select_n3A_136 = arith.select %eq3A_134, %jit3A_135, %jit3A_132 : i32
      %rem3A_137 = arith.remsi %sub3A_112, %select_n3A_136 : i32
      %ne3A_138 = arith.constant 0 : i32
      %ne3A_139 = arith.cmpi ne, %rem3A_137, %ne3A_138 : i32
      %lt3A_140 = arith.constant 0 : i32
      %lt3A_141 = arith.cmpi slt, %rem3A_137, %lt3A_140 : i32
      %lt3A_142 = arith.constant 0 : i32
      %lt3A_143 = arith.cmpi slt, %select_n3A_136, %lt3A_142 : i32
      %ne3A_144 = arith.xori %lt3A_141, %lt3A_143 : i1
      %and3A_145 = arith.andi %ne3A_144, %ne3A_139 : i1
      %add3A_146 = arith.addi %rem3A_137, %select_n3A_136 : i32
      %select_n3A_147 = arith.select %and3A_145, %add3A_146, %rem3A_137 : i32
      %eq3A_148 = arith.constant 1 : i32
      %eq3A_149 = arith.cmpi eq, %select_n3A_147, %eq3A_148 : i32
      %convert_element_type3A_150 = arith.extui %eq3A_149 : i1 to i32
      %cond3A_151 = arith.constant 0 : i32
      %cond3A_152 = arith.cmpi ne, %convert_element_type3A_150, %cond3A_151 : i32
      scf.if %cond3A_152 {
        %dma_wait3A = arith.constant 0 : i32
        %dma_wait3A_153 = arith.constant 0 : i32
        %dma_wait3A_154 = tpu.memref_slice %arg6[%dma_wait3A, %dma_wait3A_153] : memref<200000x128xf32, #tpu.memory_space<hbm>> -> memref<200000x128xf32, #tpu.memory_space<hbm>>
        tpu.wait_indirect_dma semaphore(%arg28 : memref<!tpu.dma_semaphore, #tpu.memory_space<semaphore_mem>>) src(%arg22 : memref<64x128xf32, #tpu.memory_space<vmem>>) dst(%dma_wait3A_154 : memref<200000x128xf32, #tpu.memory_space<hbm>>)
        %dma_wait3A_155 = arith.constant 0 : i32
        %dma_wait3A_156 = arith.constant 0 : i32
        %dma_wait3A_157 = tpu.memref_slice %arg6[%dma_wait3A_155, %dma_wait3A_156] : memref<200000x128xf32, #tpu.memory_space<hbm>> -> memref<200000x128xf32, #tpu.memory_space<hbm>>
        tpu.wait_indirect_dma semaphore(%arg28 : memref<!tpu.dma_semaphore, #tpu.memory_space<semaphore_mem>>) src(%arg23 : memref<64x128xf32, #tpu.memory_space<vmem>>) dst(%dma_wait3A_157 : memref<200000x128xf32, #tpu.memory_space<hbm>>)
      } else {
      }
    } else {
    }
    return
  }
}

</mosaic_0001>

<sc_bundles>
// kernel: _sc_call.3.cloned.1.call-start
scs
__scs_entry_jumppad:
0x0: {  	(pc) =	sbr.rel $0x88, $3  }
0x1: {  	(tag) =	ssettag $0x0;
	lr =	simm.s32 $0x1  }
0x2: {  	[smem:$0x3F9D] =	sst lr;
	_ =	strace $0xD0000000  }
0x3: {  	_ = 	snop  }
0x4: {  	_ = 	snop  }
0x5: {  	_ = 	snop  }
0x6: {  	_ = 	snop  }
0x7: {  	_ = 	snop  }
__scs_overlays_trampoline_lowered:
0x8: {  	[smem:$0x3FAC] =	sst s0  }
0x9: {  	[smem:$0x3FAD] =	sst s1  }
0xa: {  	[smem:$0x3FAE] =	sst s2  }
0xb: {  	[smem:$0x3FAF] =	sst s3  }
0xc: {  	[smem:$0x3FB0] =	sst s4  }
0xd: {  	[smem:$0x3FB1] =	sst s5  }
0xe: {  	[smem:$0x3FB2] =	sst s6  }
0xf: {  	[smem:$0x3FB3] =	sst s7  }
0x10: {  	[smem:$0x3FB4] =	sst s8  }
0x11: {  	[smem:$0x3FB5] =	sst s9;
	s0 =	simm.s32 @!p0 $0x0  }
0x12: {  	s1 =	sld [smem:$0x3F9B];
	s0 =	simm.s32 @p0 $0x1  }
0x13: {  	[smem:$0x3FB6] =	sst s0;
	s0 =	simm.s32 @!p1 $0x0  }
0x14: {  	s2 =	sld [smem:$0x3F9A];
	s0 =	simm.s32 @p1 $0x1  }
0x15: {  	[smem:$0x3FB7] =	sst s0;
	s0 =	simm.s32 @!p2 $0x0  }
0x16: {  	s3 =	sld [smem:$0x3FDB];
	s0 =	simm.s32 @p2 $0x1  }
0x17: {  	s4 =	simm.s32 $0x1BF5;
	[smem:$0x3FB9] =	sst s0  }
0x18: {  	s0 =	sld [smem:$0x3F9C];
	_ =	swait.ge [sflag:s4], $0x0  }
0x19: {  	s7 =	sld [smem:$0x3F9D]  }
0x1a: {  	s8 =	sadd.s32 $0xFFFFE003, lr  }
0x1b: {  	s9 =	sadd.s32 $0xFFFFFEF7, lr;
	s5 =	simm.s32 $0xFFFFFFFF;
	p2 =	slt.u32 s8, $0xFFFFF086  }
0x1c: {  	p1 =	slt.u32 s9, $0xF7A;
	s5 =	simm.s32 @!p2 $0x0  }
0x1d: {  	s5 =	simm.s32 @p1 $0x1;
	p0 =	seq.s32 s7, s2  }
0x1e: {  	s7 =	smul.u32 @!p0 $0xF7A, s2;
	p2 =	seq.s32 @!p0 s5, $0x0  }
0x1f: {  	s9 =	smul.u32 $0xF7A, s1;
	s8 =	simm.s32 @!p0 $0x1BF5;
	p2 =	por !p2, p0  }
0x20: {  	[sflag:s8] =	ssyncset.s32 @!p0 $0xFFFFF086;
	s6 =	sadd.s32 @!p0 s3, s7;
	s7 =	simm.s32 @!p0 $0x108  }
0x21: {  	s3 =	sadd.s32 s3, s9;
	s6 =	sadd.s32 @!p0 $0x88, s6;
	s7 =	simm.s32 @p2 $0x1082  }
0x22: {  	[simem:s7], [sflag:s8] =	dma.local @!p0 [hbm:s6], $0xF7A  }
0x23: {  	s9 =	sor.u32 $0xD0000000, s2;
	s6 =	simm.s32 $0x108;
	_ =	swait.ge @!p0 [sflag:s8], $0x0  }
0x24: {  	s3 =	sadd.s32 $0x88, s3;
	s6 =	simm.s32 @!p1 $0x1082;
	[sflag:s4] =	ssyncset.s32 $0xFFFFF086  }
0x25: {  	[simem:s6], [sflag:s4] =	dma.local [hbm:s3], $0xF7A  }
0x26: {  	[smem:$0x3F9D] =	sst s1;
	(tag) =	ssettag s2;
	_ =	strace s9  }
0x27: {  	s1 =	sld [smem:$0x3FAD]  }
0x28: {  	s2 =	sld [smem:$0x3FAE]  }
0x29: {  	s4 =	sld [smem:$0x3FB0]  }
0x2a: {  	p0 =	seq.s32 s5, $0x0;
	s5 =	sld [smem:$0x3FB1]  }
0x2b: {  	s6 =	sld [smem:$0x3FB2]  }
0x2c: {  	s7 =	sld [smem:$0x3FB3]  }
0x2d: {  	s3 =	simm.s32 $0x108;
	s8 =	sld [smem:$0x3FB4]  }
0x2e: {  	s3 =	simm.s32 @!p0 $0x1082;
	s9 =	sld [smem:$0x3FB5]  }
0x2f: {  	lr =	sadd.s32 s0, s3;
	s0 =	sld [smem:$0x3FAC]  }
0x30: {  	s3 =	sld [smem:$0x3FAF]  }
0x31: {  	[smem:$0x3FB8] =	sst s10  }
0x32: {  	s10 =	sld [smem:$0x3FB6];
	_ =	sdelay $0x3  }
0x33: {  	p0 =	seq.s32 s10, $0x1;
	s10 =	sld [smem:$0x3FB8];
	_ =	sdelay $0x3  }
0x34: {  	[smem:$0x3FB8] =	sst s10  }
0x35: {  	s10 =	sld [smem:$0x3FB7];
	_ =	sdelay $0x3  }
0x36: {  	p1 =	seq.s32 s10, $0x1;
	s10 =	sld [smem:$0x3FB8];
	_ =	sdelay $0x3  }
0x37: {  	[smem:$0x3FB8] =	sst s10  }
0x38: {  	s10 =	sld [smem:$0x3FB9]  }
0x39: {  	_ = 	snop;
	(pc) =	sbr.ind lr, $3  }
0x3a: {  	_ = 	snop  }
0x3b: {  	_ = 	snop  }
0x3c: {  	p2 =	seq.s32 s10, $0x1;
	s10 =	sld [smem:$0x3FB8]  }
0x3d: {  	_ =	shalt  }
0x3e: {  	_ =	shalt  }
0x3f: {  	_ =	shalt  }
0x40: {  	_ =	shalt  }
0x41: {  	_ =	shalt  }
0x42: {  	_ =	shalt  }
0x43: {  	_ =	shalt  }
0x44: {  	_ =	shalt  }
0x45: {  	_ =	shalt  }
0x46: {  	_ =	shalt  }
0x47: {  	_ =	shalt  }
0x48: {  	_ =	shalt  }
0x49: {  	_ =	shalt  }
0x4a: {  	_ =	shalt  }
0x4b: {  	_ =	shalt  }
0x4c: {  	_ =	shalt  }
0x4d: {  	_ =	shalt  }
0x4e: {  	_ =	shalt  }
0x4f: {  	_ =	shalt  }
0x50: {  	_ =	shalt  }
0x51: {  	_ =	shalt  }
0x52: {  	_ =	shalt  }
0x53: {  	_ =	shalt  }
0x54: {  	_ =	shalt  }
0x55: {  	_ =	shalt  }
0x56: {  	_ =	shalt  }
0x57: {  	_ =	shalt  }
0x58: {  	_ =	shalt  }
0x59: {  	_ =	shalt  }
0x5a: {  	_ =	shalt  }
0x5b: {  	_ =	shalt  }
0x5c: {  	_ =	shalt  }
0x5d: {  	_ =	shalt  }
0x5e: {  	_ =	shalt  }
0x5f: {  	_ =	shalt  }
0x60: {  	_ =	shalt  }
0x61: {  	_ =	shalt  }
0x62: {  	_ =	shalt  }
0x63: {  	_ =	shalt  }
0x64: {  	_ =	shalt  }
0x65: {  	_ =	shalt  }
0x66: {  	_ =	shalt  }
0x67: {  	_ =	shalt  }
0x68: {  	_ =	shalt  }
0x69: {  	_ =	shalt  }
0x6a: {  	_ =	shalt  }
0x6b: {  	_ =	shalt  }
0x6c: {  	_ =	shalt  }
0x6d: {  	_ =	shalt  }
0x6e: {  	_ =	shalt  }
0x6f: {  	_ =	shalt  }
0x70: {  	_ =	shalt  }
0x71: {  	_ =	shalt  }
0x72: {  	_ =	shalt  }
0x73: {  	_ =	shalt  }
0x74: {  	_ =	shalt  }
0x75: {  	_ =	shalt  }
0x76: {  	_ =	shalt  }
0x77: {  	_ =	shalt  }
0x78: {  	_ =	shalt  }
0x79: {  	_ =	shalt  }
0x7a: {  	_ =	shalt  }
0x7b: {  	_ =	shalt  }
0x7c: {  	_ =	shalt  }
0x7d: {  	_ =	shalt  }
0x7e: {  	_ =	shalt  }
0x7f: {  	_ =	shalt  }
0x80: {  	_ =	shalt  }
0x81: {  	_ =	shalt  }
0x82: {  	_ =	shalt  }
0x83: {  	_ =	shalt  }
0x84: {  	_ =	shalt  }
0x85: {  	_ =	shalt  }
0x86: {  	_ =	shalt  }
0x87: {  	_ =	shalt  }
.Lfunc_end0:
.L_simem_size_0:
called_computation_lowered:
.L_overlay_start_0:
0x88: {  	s2 =	sld [smem:$0x3FD9]  }
0x89: {  	s3 =	sld [smem:$0x3FFE];
	_ =	sdelay $0x1  }
0x8a: {  	s1 =	srdreg.scid  }
0x8b: {  	s0 =	sand.u32 $0x1, s1  }
0x8c: {  	s18 =	sshll.u32 s0, $0xA;
	s2 =	sadd.s32 s3, s2  }
0x8d: {  	s2 =	sadd.s32 s2, s18  }
0x8e: {  	[smem:$0x3FC4] =	sst s2  }
0x8f: {  	_ = 	snop  }
0x90: {  	s2 =	sld [smem:$0x3FC9]  }
0x91: {  	s19 =	sld [smem:$0x3FC8]  }
0x92: {  	s4 =	sld [smem:$0x3FC7]  }
0x93: {  	s5 =	sld [smem:$0x3FC6]  }
0x94: {  	s6 =	sld [smem:$0x3FD0];
	(tm) =	ssettm $0x1  }
0x95: {  	s7 =	sld [smem:$0x3FFB];
	_ =	sdelay $0x3  }
0x96: {  	_ =	strace s7  }
0x97: {  	s7 =	sld [smem:$0x3FFC];
	_ =	sdelay $0x3  }
0x98: {  	_ =	strace s7  }
0x99: {  	s7 =	sld [smem:$0x3FFD];
	_ =	sdelay $0x3  }
0x9a: {  	_ =	strace s7  }
0x9b: {  	_ =	strace $0x8FFFFFFF  }
0x9c: {  	s20 =	sld [smem:$0x3FDB];
	_ =	sdelay $0x1  }
0x9d: {  	s8 =	simm.s32 $_scs_section_size  }
0x9e: {  	s9 =	simm.s32 $_size__tile_overlayer_lowered;
	s10 =	simm.s32 $_tile_overlayer_lowered  }
0x9f: {  	s23 =	simm.s32 $0x1BFF;
	s22 =	sshll.u32 s10, $0x1;
	s7 =	sadd.s32 s8, s20  }
0xa0: {  	s11 =	simm.s32 $0x0;
	s21 =	sshll.u32 s9, $0x1;
	s9 =	sadd.s32 s22, s7  }
0xa1: {  	[timem:s11], [sflag:s23] =	dma.local [hbm:s9], s21  }
0xa2: {  	_ =	swait.ge [sflag:s23], s21  }
0xa3: {  	s8 =	ssub.s32 $0x0, s21;
	[sflag:s23] =	ssyncset.done $0x0  }
0xa4: {  	[sflag:s23] =	ssyncadd.s32 s8;
	_ =	sdelay $0x1  }
0xa5: {  	s24 =	simm.s32 $0x1B8B  }
0xa6: {  	_ =	swait.ge [sflag:s24], $0x1  }
0xa7: {  	[sflag:s24] =	ssyncset.done $0x0  }
0xa8: {  	s25 =	simm.s32 $0x1B8E;
	[sflag:s24] =	ssyncadd.s32 $0xFFFFFFFF  }
0xa9: {  	s26 =	simm.s32 $execute0_lowered;
	[smem:$0x3FD2] =	sst s25  }
0xaa: {  	s8 =	sshll.u32 s26, $0x1;
	_ =	strace $0x80000046;
	[dreg:$0x1] =	wrdreg $0xFFFFFFFF  }
0xab: {  	s28 =	simm.s32 $_size_execute0_lowered;
	s7 =	sadd.s32 s7, s8;
	[dreg:$0x0] =	wrdreg $0x0  }
0xac: {  	s8 =	sshll.u32 s28, $0x1;
	[dreg:$0x2] =	wrdreg s7  }
0xad: {  	[dreg:$0x3] =	wrdreg s8  }
0xae: {  	[dreg:$0x4] =	wrdreg $0xC0  }
0xaf: {  	_ =	task [dreg:s11], $0x5FFFF  }
0xb0: {  	[dreg:$0x1] =	wrdreg $0xFFFFFFFF  }
0xb1: {  	[dreg:$0x0] =	wrdreg $0x60  }
0xb2: {  	[dreg:$0x2] =	wrdreg s2  }
0xb3: {  	[dreg:$0x3] =	wrdreg s19  }
0xb4: {  	[dreg:$0x4] =	wrdreg s4  }
0xb5: {  	[dreg:$0x5] =	wrdreg s5  }
0xb6: {  	[dreg:$0x6] =	wrdreg s6  }
0xb7: {  	[dreg:$0x7] =	wrdreg $0x9  }
0xb8: {  	_ =	task.clear_ibuf [dreg:s11], $0x8FFFF;
	_ =	strace $0x90000046  }
0xb9: {  	s29 =	simm.s32 $0x9;
	_ =	strace $0x80000048  }
0xba: {  	_ =	swait.ge [sflag:s29], $0x1  }
0xbb: {  	[sflag:s29] =	ssyncadd.s32 $0xFFFFFFFF  }
0xbc: {  	_ =	strace $0x90000048  }
0xbd: {  	_ =	sfence  }
0xbe: {  	s30 =	sld [smem:$0x0];
	_ =	sdelay $0x2  }
0xbf: {  	s31 =	sshll.u32 s1, $0xD;
	s1 =	sshrl.u32 s1, $0x2  }
0xc0: {  	s3 =	sand.u32 $0x4000, s31;
	s1 =	sadd.s32 s1, s30  }
0xc1: {  	s0 =	sor.u32 s3, s0;
	s1 =	sshll.u32 s1, $0x11  }
0xc2: {  	s0 =	sor.u32 s1, s0  }
0xc3: {  	s0 =	sadd.s32 $0x8F2B, s0  }
0xc4: {  	[sflag:s0] =	ssyncadd.remote.s32 $0x1  }
0xc5: {  	_ =	sfence.sel $0xFFFF  }
0xc6: {  	[dreg:$0x0] =	wrdreg $0xFFFFFFFF;
	(pc) =	sbr.abs _section_cstart, $3  }
0xc7: {  	[dreg:$0x1] =	wrdreg $0xFFFFFFFF  }
0xc8: {  	_ =	task.clear_ibuf [dreg:s11], $0x2FFFF;
	_ =	strace $0x9FFFFFFF  }
0xc9: {  	(tm) =	ssettm $0x7FFFFFFF  }
tec
execute0_lowered:
.L_overlay_start_1:
0x0: {  	(tag) =	ssettag $0x1  }
0x1: {  	s9 =	rddreg [dreg:$0x1]  }
0x2: {  	s10 =	rddreg [dreg:$0x2]  }
0x3: {  	s0 =	srdreg.scid;
	s11 =	rddreg [dreg:$0x3]  }
0x4: {  	s3 =	stileid.u32;
	s12 =	rddreg [dreg:$0x4]  }
0x5: {  	_ =	strace $0x80000047;
	s13 =	simm.s32 $0x0;
	s14 =	simm.s32 $0x4000  }
0x6: {  	s15 =	simm.s32 $0x1;
	s16 =	simm.s32 $0x8000;
	s25 =	simm.s32 $0x8C80  }
0x7: {  	s26 =	simm.s32 $0xCC80;
	s17 =	simm.s32 $0x40;
	s18 =	simm.s32 $0x10C80  }
0x8: {  	s19 =	simm.s32 $0x10E00;
	s20 =	simm.s32 $0x12E00;
	s21 =	simm.s32 $0x3  }
0x9: {  	v2 =	vimm.s32 $0xFFFFFFFF;
	s0 =	sand.u32 $0x1, s0;
	s1 =	sshll.u32 s3, $0x1;
	s3 =	smul.u32 $0x186A, s3  }
0xa: {  	v3 =	vimm.s32 $0x0;
	v4 =	vlaneseq.u32;
	vm1 =	vcmask $0x704;
	s1 =	sor.u32 s0, s1;
	s2 =	ssub.s32 $0x2, s0;
	s0 =	smul.u32 $0xC35, s0  }
.Ltmp0:
0xb: {  	vm2 =	vcmask $0xB08;
	vm3 =	vcmask $0xF0C;
	vm4 =	vcmask $0x1310;
	s22 =	simm.s32 $0x16E00;
	s23 =	simm.s32 $0x16F80;
	(pc) =	sbr.rel .LBB2_1-.Ltmp0, $4  }
0xc: {  	vm5 =	vcmask $0x1714;
	vm6 =	vcmask $0x1B18;
	vm7 =	vcmask $0x1F1C;
	s24 =	simm.s32 $0x16E80;
	s1 =	smul.u32 $0xC35, s1;
	s4 =	sshrl.u32 s2, $0x1  }
0xd: {  	vm8 =	vcmask $0x2320;
	vm9 =	vcmask $0x2724;
	vm10 =	vcmask $0x2B28;
	s28 =	simm.s32 $0x18F80;
	s2 =	ssub.s32 s2, s4;
	s0 =	sadd.s32 s0, s3  }
0xe: {  	vm11 =	vcmask $0x2F2C;
	vm12 =	vcmask $0x3330;
	vm13 =	vcmask $0x3734;
	s31 =	sadd.s32 $0xC35, s1;
	s2 =	smax.u32 s2, $0x1;
	[dreg:$0x12] =	wrdreg s0  }
0xf: {  	vm14 =	vcmask $0x3B38;
	s29 =	simm.s32 $0x10D00;
	s30 =	simm.s32 $0x0;
	v0 =	vmov s1;
	[dreg:$0x11] =	wrdreg s2;
	v1 =	vmov s31  }
.LBB2_24:
0x10: {  	s0 =	sand.u32 $0x1, s31  }
0x11: {  	p1 =	seq.s32 s0, $0x0  }
0x12: {  	s0 =	simm.s32 @p1 $0x4  }
0x13: {  	_ =	swait.ge @p1 [sflag:s0], $0x2000  }
0x14: {  	[sflag:s0] =	ssyncset.done @p1 $0x0  }
0x15: {  	[sflag:s0] =	ssyncadd.s32 @p1 $0xFFFFE000  }
0x16: {  	_ =	swait.ge @p1 [sflag:s0], $0x2000  }
0x17: {  	[sflag:s0] =	ssyncset.done @p1 $0x0  }
0x18: {  	[sflag:s0] =	ssyncadd.s32 @p1 $0xFFFFE000;
	s0 =	simm.s32 @p1 $0x2  }
0x19: {  	s0 =	simm.s32 @!p1 $0x2  }
0x1a: {  	p0 =	seq.s32 s31, $0x1;
	_ =	swait.ge @!p1 [sflag:s0], $0x2000  }
.Ltmp1:
0x1b: {  	[sflag:s0] =	ssyncset.done @!p1 $0x0;
	(pc) =	sbr.rel @!p0 .LBB2_25-.Ltmp1, $4  }
0x1c: {  	[sflag:s0] =	ssyncadd.s32 @!p1 $0xFFFFE000  }
0x1d: {  	_ =	swait.ge @!p1 [sflag:s0], $0x2000  }
0x1e: {  	[sflag:s0] =	ssyncset.done @!p1 $0x0  }
0x1f: {  	[sflag:s0] =	ssyncadd.s32 @!p1 $0xFFFFE000;
	s0 =	simm.s32 @!p1 $0x4  }
.LBB2_26:
0x20: {  	s30 =	sadd.s32 $0x1, s30;
	s0 =	rddreg [dreg:$0x11]  }
0x21: {  	p0 =	sne.s32 s30, s0  }
.Ltmp2:
0x22: {  	_ = 	snop;
	(pc) =	sbr.rel @!p0 .LBB2_27-.Ltmp2, $1  }
0x23: {  	_ =	sdelay $0x3  }
.LBB2_1:
0x24: {  	s0 =	rddreg [dreg:$0x0];
	s31 =	simm.s32 $0x5  }
0x25: {  	[tilespmem:s13], [sflag:$0x5] =	stream.linear.gather [hbm4b:s0+s13], $0x4000, $0x38;
	[tilespmem:$0x1CF80] =	vst v63  }
0x26: {  	_ =	swait.ge [sflag:s31], $0x4000  }
0x27: {  	[sflag:s31] =	ssyncset.done $0x0  }
0x28: {  	s0 =	simm.s32 $0x0;
	[sflag:s31] =	ssyncadd.s32 $0xFFFFC000  }
.LBB2_2:
0x29: {  	p0 =	sne.s32 s0, $0x30C0  }
.Ltmp3:
0x2a: {  	_ = 	snop;
	(pc) =	sbr.rel @p0 .LBB2_2-.Ltmp3, $3  }
0x2b: {  	_ =	sdelay $0x1  }
0x2c: {  	s1 =	sshra.s32 s0, $0x2  }
0x2d: {  	s0 =	sadd.s32 $0x40, s0;
	[tilespmem:s1+$0x8000] =	vst v2  }
0x2e: {  	s1 =	simm.s32 $0x0  }
0x2f: {  	v5 =	vld [tilespmem:s1+$0x0];
	_ =	sdelay $0x4  }
0x30: {  	vm0 =	vge.s32 v5, v0;
	vm15 =	vlt.s32 v5, v1  }
0x31: {  	vm15 =	vmand vm0, vm15  }
0x32: {  	v5 =	vsel vm15, $0x1, v3  }
0x33: {  	(xrf0) =	vadd.scan.msk.s32 $0xffff, v5;
	_ =	sdelay $0x2  }
0x34: {  	v5 =	vmov s1  }
0x35: {  	v5 =	vadd.s32 $0xFFFFFFFF, v5  }
0x36: {  	v5 =	vbroadcast v5, $0x0  }
0x37: {  	v6, _, _ =	vpop (xrf0)  }
0x38: {  	v5 =	vadd.s32 v6, v5;
	(v2sf) =	vpush v6, $0xF;
	_ =	sdelay $0x3  }
0x39: {  	v7 =	vor.u32 s1, v4  }
0x3a: {  	s0 =	simm.s32 $0x10;
	[tilespmem:v5+s14+$0x0] =	vst.idx.msk vm15, v7  }
0x3b: {  	s2 =	simm.s32 $0x20;
	s3 =	simm.s32 $0x10;
	v5 =	vld [tilespmem:s0+$0x0]  }
.LBB2_4:
0x3c: {  	p0 =	sne.s32 s2, $0x3FF0;
	_ =	sdelay $0x3  }
0x3d: {  	vm15 =	vge.s32 v5, v0;
	vm0 =	vlt.s32 v5, v1  }
0x3e: {  	vm0 =	vmand vm15, vm0  }
0x3f: {  	v5 =	vsel vm0, $0x1, v3  }
0x40: {  	(xrf0) =	vadd.scan.msk.s32 $0xffff, v5  }
0x41: {  	s4 =	spop (v2sf)  }
0x42: {  	s1 =	sadd.s32 s1, s4  }
0x43: {  	v5 =	vmov s1  }
0x44: {  	v5 =	vadd.s32 $0xFFFFFFFF, v5  }
0x45: {  	v5 =	vbroadcast v5, $0x0  }
0x46: {  	v6, _, _ =	vpop (xrf0)  }
0x47: {  	v5 =	vadd.s32 v6, v5;
	(v2sf) =	vpush v6, $0xF;
	_ =	sdelay $0x1  }
.Ltmp4:
0x48: {  	(pc) =	sbr.rel @p0 .LBB2_4-.Ltmp4, $4  }
0x49: {  	_ = 	snop  }
0x4a: {  	v6 =	vor.u32 s0, v4;
	s0 =	smov.u32 s2  }
0x4b: {  	s3 =	sadd.s32 $0x10, s3;
	[tilespmem:v5+s14+$0x0] =	vst.idx.msk vm0, v6  }
0x4c: {  	s2 =	sadd.s32 $0x10, s2;
	v5 =	vld [tilespmem:s3+$0x0]  }
0x4d: {  	_ =	sdelay $0x3  }
0x4e: {  	vm0 =	vge.s32 v5, v0;
	vm15 =	vlt.s32 v5, v1  }
0x4f: {  	vm0 =	vmand vm0, vm15  }
0x50: {  	v5 =	vsel vm0, $0x1, v3  }
0x51: {  	(xrf0) =	vadd.scan.msk.s32 $0xffff, v5;
	_ =	sdelay $0x5  }
0x52: {  	v5, _, _ =	vpop (xrf0)  }
0x53: {  	(v2sf) =	vpush v5, $0xF;
	_ =	sdelay $0xd  }
0x54: {  	s2 =	spop (v2sf)  }
0x55: {  	s1 =	sadd.s32 s1, s2;
	s8 =	spop (v2sf)  }
0x56: {  	s2 =	sadd.s32 s1, s8  }
0x57: {  	v6 =	vmov s1;
	s1 =	sadd.s32 $0xF, s2  }
0x58: {  	s3 =	sand.u32 $0xF, s1  }
0x59: {  	s31 =	sshra.s32 s1, $0x1F;
	p1 =	slt.s32 s1, $0x1;
	p0 =	sne.s32 s3, $0x0  }
0x5a: {  	s3 =	sshrl.u32 s31, $0x1C;
	p0 =	por !p1, !p0  }
0x5b: {  	v6 =	vadd.s32 $0xFFFFFFFF, v6;
	s1 =	sadd.s32 s3, s1;
	s3 =	simm.s32 $0x1;
	p0 =	por !p0, !p0  }
0x5c: {  	v6 =	vbroadcast v6, $0x0;
	s1 =	sshra.s32 s1, $0x4;
	s3 =	simm.s32 @!p0 $0x0  }
0x5d: {  	s1 =	ssub.s32 s1, s3  }
0x5e: {  	v5 =	vadd.s32 v5, v6;
	p0 =	slt.s32 s1, $0x1  }
.Ltmp5:
0x5f: {  	_ = 	snop;
	(pc) =	sbr.rel @p0 .LBB2_8-.Ltmp5, $3  }
0x60: {  	_ =	sdelay $0x1  }
0x61: {  	v6 =	vor.u32 s0, v4  }
0x62: {  	[tilespmem:v5+s14+$0x0] =	vst.idx.msk vm0, v6  }
0x63: {  	v5 =	vmov s2;
	s0 =	simm.s32 $0x4000;
	s2 =	simm.s32 $0x0  }
.LBB2_7:
0x64: {  	v6 =	vld [tilespmem:s0+$0x0]  }
0x65: {  	v7 =	vor.u32 s2, v4  }
0x66: {  	vm0 =	vlt.s32 v7, v5;
	_ =	sdelay $0x5  }
0x67: {  	v7 =	vld.idx.msk [tilespmem:v6+s13+$0x0], vm0;
	_ =	sdelay $0x4  }
0x68: {  	v7 =	vsub.s32 v7, v0  }
0x69: {  	(xrf1) =	vunique.msk.u32 vm0, v7;
	_ =	sdelay $0xd  }
0x6a: {  	_, v8, vm15 =	vpop (xrf1)  }
0x6b: {  	vm0 =	vmand vm0, vm15  }
0x6c: {  	p0 =	sne.s32 s1, $0x1  }
.Ltmp6:
0x6d: {  	_ = 	snop;
	(pc) =	sbr.rel @p0 .LBB2_7-.Ltmp6, $2  }
0x6e: {  	_ =	sdelay $0x2  }
0x6f: {  	s0 =	sadd.s32 $0x10, s0;
	s2 =	sadd.s32 $0x10, s2;
	s1 =	sadd.s32 $0xFFFFFFFF, s1;
	[tilespmem:v7+s16+$0x0] =	vst.idx.msk vm0, v6  }
.LBB2_8:
0x70: {  	s0 =	simm.s32 $0x0  }
0x71: {  	v5 =	vld [tilespmem:s0+$0x8000];
	_ =	sdelay $0x4  }
0x72: {  	vm0 =	vgt.s32 v5, $0xFFFFFFFF  }
0x73: {  	v6 =	vsel vm0, $0x1, v3  }
0x74: {  	(xrf0) =	vadd.scan.msk.s32 $0xffff, v6;
	_ =	sdelay $0x1  }
0x75: {  	s0 =	simm.s32 $0x0  }
0x76: {  	v6 =	vmov s0  }
0x77: {  	v6 =	vadd.s32 $0xFFFFFFFF, v6  }
0x78: {  	v6 =	vbroadcast v6, $0x0  }
0x79: {  	v7, _, _ =	vpop (xrf0)  }
0x7a: {  	v6 =	vadd.s32 v7, v6;
	(v2sf) =	vpush v7, $0xF;
	_ =	sdelay $0x2  }
0x7b: {  	s1 =	rddreg [dreg:$0x12]  }
0x7c: {  	v8 =	vadd.s32 s1, v4  }
0x7d: {  	[tilespmem:v6+s25+$0x0] =	vst.idx.msk vm0, v8  }
0x7e: {  	s3 =	simm.s32 $0x10;
	s2 =	simm.s32 $0x80;
	[tilespmem:v6+s26+$0x0] =	vst.idx.msk vm0, v5  }
.LBB2_9:
0x7f: {  	p0 =	sne.s32 s2, $0x30C0;
	v5 =	vld [tilespmem:s3+$0x8000];
	_ =	sdelay $0x4  }
0x80: {  	vm0 =	vgt.s32 v5, $0xFFFFFFFF  }
0x81: {  	v6 =	vsel vm0, $0x1, v3  }
0x82: {  	(xrf0) =	vadd.scan.msk.s32 $0xffff, v6  }
0x83: {  	s3 =	spop (v2sf)  }
0x84: {  	s0 =	sadd.s32 s0, s3  }
0x85: {  	v6 =	vmov s0  }
0x86: {  	v6 =	vadd.s32 $0xFFFFFFFF, v6  }
0x87: {  	v6 =	vbroadcast v6, $0x0  }
0x88: {  	v7, _, _ =	vpop (xrf0)  }
0x89: {  	v6 =	vadd.s32 v7, v6;
	(v2sf) =	vpush v7, $0xF;
	_ =	sdelay $0x1  }
.Ltmp7:
0x8a: {  	(pc) =	sbr.rel @p0 .LBB2_9-.Ltmp7, $4  }
0x8b: {  	s1 =	sadd.s32 $0x10, s1  }
0x8c: {  	v7 =	vadd.s32 s1, v4  }
0x8d: {  	[tilespmem:v6+s25+$0x0] =	vst.idx.msk vm0, v7  }
0x8e: {  	s3 =	sshra.s32 s2, $0x2;
	s2 =	sadd.s32 $0x40, s2;
	[tilespmem:v6+s26+$0x0] =	vst.idx.msk vm0, v5  }
0x8f: {  	v5 =	vld [tilespmem:s3+$0x8000];
	_ =	sdelay $0x4  }
0x90: {  	vm0 =	vgt.s32 v5, $0xFFFFFFFF  }
0x91: {  	v6 =	vsel vm0, $0x1, v3  }
0x92: {  	(xrf0) =	vadd.scan.msk.s32 $0xffff, v6;
	_ =	sdelay $0x5  }
0x93: {  	v6, _, _ =	vpop (xrf0)  }
0x94: {  	(v2sf) =	vpush v6, $0xF;
	_ =	sdelay $0xd  }
0x95: {  	s2 =	spop (v2sf)  }
0x96: {  	s0 =	sadd.s32 s0, s2;
	s5 =	spop (v2sf)  }
0x97: {  	s6 =	sadd.s32 s0, s5  }
0x98: {  	v7 =	vmov s0;
	s0 =	sadd.s32 $0x3F, s6  }
0x99: {  	v7 =	vadd.s32 $0xFFFFFFFF, v7;
	s7 =	sand.u32 $0x3F, s0  }
0x9a: {  	v7 =	vbroadcast v7, $0x0;
	p1 =	slt.s32 s0, $0x1;
	p0 =	sne.s32 s7, $0x0  }
0x9b: {  	s1 =	sadd.s32 $0x10, s1;
	p0 =	por !p1, !p0  }
0x9c: {  	v6 =	vadd.s32 v6, v7;
	v7 =	vadd.s32 s1, v4;
	s1 =	simm.s32 $0x1;
	p0 =	por !p0, !p0  }
0x9d: {  	s1 =	simm.s32 @!p0 $0x0;
	p0 =	slt.s32 s6, $0x1  }
.Ltmp8:
0x9e: {  	s8 =	sshra.s32 s0, $0x1F;
	(pc) =	sbr.rel @p0 .LBB2_14-.Ltmp8, $4  }
0x9f: {  	s2 =	sshrl.u32 s8, $0x1A  }
0xa0: {  	s0 =	sadd.s32 s2, s0  }
0xa1: {  	[tilespmem:v6+s25+$0x0] =	vst.idx.msk vm0, v7;
	s0 =	sshra.s32 s0, $0x6  }
0xa2: {  	[tilespmem:v6+s26+$0x0] =	vst.idx.msk vm0, v5;
	[dreg:$0x6] =	wrdreg s6;
	s31 =	ssub.s32 s0, s1  }
0xa3: {  	s0 =	rddreg [dreg:$0x6]  }
0xa4: {  	v5 =	vmov s0  }
0xa5: {  	(v2sf) =	vpush v5, $0xD  }
0xa6: {  	(v2sf) =	vpush v5, $0xB  }
0xa7: {  	(v2sf) =	vpush v5, $0xC  }
0xa8: {  	(v2sf) =	vpush v5, $0xA  }
0xa9: {  	(v2sf) =	vpush v5, $0x7  }
0xaa: {  	(v2sf) =	vpush v5, $0x8  }
0xab: {  	(v2sf) =	vpush v5, $0x9  }
0xac: {  	(v2sf) =	vpush v5, $0x5  }
0xad: {  	(v2sf) =	vpush v5, $0xF  }
0xae: {  	(v2sf) =	vpush v5, $0x4  }
0xaf: {  	(v2sf) =	vpush v5, $0x3  }
0xb0: {  	s0 =	sadd.s32 $0x0, s0;
	(v2sf) =	vpush v5, $0x2  }
0xb1: {  	v6 =	vadd.s32 s0, v4;
	(v2sf) =	vpush v5, $0x0  }
0xb2: {  	v7 =	vsub.s32 v6, v5;
	(v2sf) =	vpush v5, $0x1  }
0xb3: {  	(v2sf) =	vpush v7, $0x4  }
0xb4: {  	(v2sf) =	vpush v7, $0x3;
	s7 =	spop (v2sf)  }
0xb5: {  	(v2sf) =	vpush v7, $0xB;
	s13 =	spop (v2sf)  }
0xb6: {  	(v2sf) =	vpush v7, $0x9;
	s14 =	spop (v2sf)  }
0xb7: {  	(v2sf) =	vpush v7, $0x6;
	s10 =	spop (v2sf)  }
0xb8: {  	(v2sf) =	vpush v7, $0x1;
	s11 =	spop (v2sf)  }
0xb9: {  	(v2sf) =	vpush v7, $0x0;
	s3 =	spop (v2sf)  }
0xba: {  	s6 =	spop (v2sf)  }
0xbb: {  	s28 =	spop (v2sf)  }
0xbc: {  	(v2sf) =	vpush v7, $0xF;
	s12 =	spop (v2sf)  }
0xbd: {  	s1 =	spop (v2sf)  }
0xbe: {  	(v2sf) =	vpush v7, $0x2;
	s5 =	spop (v2sf)  }
0xbf: {  	(v2sf) =	vpush v7, $0x5;
	s18 =	spop (v2sf)  }
0xc0: {  	s8 =	spop (v2sf)  }
0xc1: {  	s16 =	spop (v2sf)  }
0xc2: {  	[dreg:$0x13] =	wrdreg s30;
	s9 =	spop (v2sf)  }
0xc3: {  	[dreg:$0x14] =	wrdreg s31;
	s19 =	sshra.s32 s28, $0x1F;
	s17 =	spop (v2sf)  }
0xc4: {  	s0 =	sxor.u32 s19, s28;
	s20 =	sshra.s32 s1, $0x1F;
	s23 =	spop (v2sf)  }
0xc5: {  	s0 =	ssub.s32 s0, s19;
	s1 =	sxor.u32 s20, s1;
	s4 =	spop (v2sf)  }
0xc6: {  	s20 =	ssub.s32 s1, s20;
	s24 =	sshra.s32 s18, $0x1F;
	s2 =	spop (v2sf)  }
0xc7: {  	s21 =	sshra.s32 s8, $0x1F;
	s18 =	sxor.u32 s24, s18;
	s15 =	spop (v2sf)  }
0xc8: {  	s8 =	sxor.u32 s21, s8;
	s18 =	ssub.s32 s18, s24;
	s22 =	spop (v2sf)  }
0xc9: {  	s30 =	ssub.s32 s8, s21;
	s21 =	sshra.s32 s5, $0x1F;
	s8 =	sshra.s32 s22, $0x1F  }
0xca: {  	s5 =	sxor.u32 s21, s5;
	s1 =	sshra.s32 s17, $0x1F;
	s22 =	sxor.u32 s8, s22  }
0xcb: {  	s5 =	ssub.s32 s5, s21;
	s21 =	spop (v2sf);
	s28 =	ssub.s32 s22, s8  }
0xcc: {  	(v2sf) =	vpush v7, $0x7;
	(drf) =	srem.u32 s28, s30;
	s30 =	sxor.u32 s1, s17;
	s17 =	sshra.s32 s9, $0x1F  }
0xcd: {  	(v2sf) =	vpush v7, $0x8;
	s22 =	spop (v2sf);
	s19 =	ssub.s32 s30, s1;
	s9 =	sxor.u32 s17, s9  }
0xce: {  	s28 =	spop (v2sf);
	(drf) =	srem.u32 s19, s5;
	s9 =	ssub.s32 s9, s17  }
0xcf: {  	(v2sf) =	vpush v7, $0xA;
	(drf) =	srem.u32 s9, s20;
	s9 =	sshra.s32 s22, $0x1F;
	s20 =	sshra.s32 s28, $0x1F  }
0xd0: {  	s5 =	sxor.u32 s9, s22;
	s19 =	sxor.u32 s20, s28;
	s22 =	sshra.s32 s14, $0x1F  }
0xd1: {  	s30 =	ssub.s32 s5, s9;
	s5 =	sshra.s32 s7, $0x1F;
	s19 =	ssub.s32 s19, s20  }
0xd2: {  	(v2sf) =	vpush v7, $0xD;
	s28 =	sxor.u32 s22, s14;
	(drf) =	srem.u32 s30, s18;
	s18 =	sshra.s32 s13, $0x1F  }
0xd3: {  	(v2sf) =	vpush v7, $0xE;
	s30 =	sshra.s32 s11, $0x1F;
	(drf) =	srem.u32 s19, s0;
	s19 =	sshra.s32 s10, $0x1F  }
0xd4: {  	(v2sf) =	vpush v7, $0xC;
	s24 =	sxor.u32 s18, s13;
	s13 =	ssub.s32 s28, s22;
	s22 =	sshra.s32 s3, $0x1F  }
0xd5: {  	(v2sf) =	vpush v5, $0x6;
	s11 =	sxor.u32 s30, s11;
	s28 =	sshra.s32 s12, $0x1F;
	s0 =	ssub.s32 s24, s18  }
0xd6: {  	s24 =	sshra.s32 s16, $0x1F;
	s14 =	ssub.s32 s11, s30;
	s30 =	sxor.u32 s28, s12  }
0xd7: {  	s12 =	sshra.s32 s21, $0x1F;
	s3 =	sxor.u32 s22, s3;
	s10 =	sxor.u32 s19, s10  }
0xd8: {  	s16 =	sxor.u32 s24, s16;
	s11 =	ssub.s32 s30, s28;
	s28 =	sshra.s32 s6, $0x1F  }
0xd9: {  	s21 =	sxor.u32 s12, s21;
	s22 =	ssub.s32 s3, s22;
	s19 =	ssub.s32 s10, s19  }
0xda: {  	s16 =	ssub.s32 s16, s24;
	s6 =	sxor.u32 s28, s6;
	s21 =	ssub.s32 s21, s12  }
0xdb: {  	(drf) =	srem.u32 s21, s11;
	s11 =	sshra.s32 s15, $0x1F;
	s21 =	spop (v2sf)  }
0xdc: {  	s28 =	ssub.s32 s6, s28;
	s30 =	spop (v2sf);
	s15 =	sxor.u32 s11, s15  }
0xdd: {  	(v2sf) =	vpush v5, $0xE;
	s29 =	sshra.s32 s21, $0x1F;
	s6 =	sshra.s32 s30, $0x1F;
	s3 =	ssub.s32 s15, s11  }
0xde: {  	s18 =	spop (v2sf);
	s21 =	sxor.u32 s29, s21;
	(drf) =	srem.u32 s3, s16  }
0xdf: {  	s3 =	sshra.s32 s4, $0x1F;
	s30 =	sxor.u32 s6, s30;
	s24 =	ssub.s32 s21, s29  }
0xe0: {  	s21 =	sshra.s32 s2, $0x1F;
	s16 =	ssub.s32 s30, s6;
	s4 =	sxor.u32 s3, s4  }
0xe1: {  	(drf) =	srem.u32 s16, s22;
	s16 =	spop (v2sf);
	s4 =	ssub.s32 s4, s3  }
0xe2: {  	s2 =	sxor.u32 s21, s2;
	(drf) =	srem.u32 s4, s28;
	s4 =	spop (v2sf)  }
0xe3: {  	s10 =	sshra.s32 s18, $0x1F;
	s2 =	ssub.s32 s2, s21;
	s22 =	spop (v2sf)  }
0xe4: {  	(drf) =	srem.u32 s24, s14;
	s14 =	sxor.u32 s5, s7;
	s28 =	spop (v2sf)  }
0xe5: {  	s24 =	sxor.u32 s10, s18;
	s18 =	sshra.s32 s22, $0x1F;
	s30 =	sshra.s32 s28, $0x1F  }
0xe6: {  	s5 =	ssub.s32 s14, s5;
	s15 =	sxor.u32 s30, s28;
	s28 =	ssub.s32 s24, s10  }
0xe7: {  	s7 =	ssub.s32 s15, s30;
	s30 =	sxor.u32 s18, s22;
	s15 =	spop (drf)  }
0xe8: {  	(drf) =	srem.u32 s2, s7;
	s7 =	ssub.s32 s30, s18;
	s22 =	spop (drf)  }
0xe9: {  	(drf) =	srem.u32 s28, s19;
	s19 =	sshra.s32 s23, $0x1F;
	s2 =	spop (drf)  }
0xea: {  	s23 =	sxor.u32 s19, s23;
	(drf) =	srem.u32 s7, s13;
	s7 =	sshra.s32 s16, $0x1F  }
0xeb: {  	s24 =	ssub.s32 s23, s19;
	s28 =	sxor.u32 s7, s16;
	s23 =	sshra.s32 s4, $0x1F  }
0xec: {  	(drf) =	srem.u32 s24, s0;
	s0 =	spop (v2sf);
	s13 =	ssub.s32 s28, s7  }
0xed: {  	s24 =	spop (drf);
	s4 =	sxor.u32 s23, s4;
	s30 =	sshra.s32 s0, $0x1F  }
0xee: {  	(drf) =	srem.u32 s13, s5;
	s28 =	spop (drf);
	s0 =	sxor.u32 s30, s0  }
0xef: {  	s4 =	ssub.s32 s4, s23;
	s0 =	ssub.s32 s0, s30;
	s30 =	spop (drf)  }
0xf0: {  	(drf) =	srem.u32 s4, s0;
	s4 =	sxor.u32 s8, s15;
	s13 =	sxor.u32 s12, s30  }
0xf1: {  	s15 =	spop (drf);
	s0 =	ssub.s32 s4, s8;
	s4 =	ssub.s32 s13, s12  }
0xf2: {  	vm0 =	vcmask $0x300;
	s22 =	sxor.u32 s1, s22;
	s2 =	sxor.u32 s17, s2;
	s8 =	sxor.u32 s11, s15;
	v7 =	vmov s4  }
0xf3: {  	s1 =	ssub.s32 s22, s1;
	s16 =	sxor.u32 s9, s24;
	s8 =	ssub.s32 s8, s11;
	v7 =	vsel vm0, s0, v7  }
0xf4: {  	s2 =	ssub.s32 s2, s17;
	s17 =	spop (drf);
	s4 =	ssub.s32 s16, s9;
	v7 =	vsel vm1, s8, v7  }
0xf5: {  	s5 =	sxor.u32 s20, s28;
	s28 =	sshll.u32 s31, $0x6;
	s24 =	spop (drf);
	v7 =	vsel vm2, s4, v7  }
0xf6: {  	s5 =	ssub.s32 s5, s20;
	s0 =	sxor.u32 s6, s17;
	s30 =	sxor.u32 s3, s24;
	v7 =	vsel vm3, s1, v7  }
0xf7: {  	s31 =	spop (drf);
	s8 =	simm.s32 $0x10;
	s0 =	ssub.s32 s0, s6;
	v8 =	vsel vm4, s2, v7  }
0xf8: {  	s1 =	ssub.s32 s30, s3;
	s3 =	spop (drf);
	v7 =	vmov s28;
	s2 =	sxor.u32 s29, s31;
	v8 =	vsel vm5, s5, v8  }
.LBB2_12:
0xf9: {  	(v2sf) =	vpush v5, $0xD;
	_ =	sdelay $0x1  }
0xfa: {  	(v2sf) =	vpush v5, $0xB  }
0xfb: {  	(v2sf) =	vpush v5, $0xC  }
0xfc: {  	(v2sf) =	vpush v5, $0xA  }
0xfd: {  	s3 =	sxor.u32 s21, s3;
	(v2sf) =	vpush v5, $0x7  }
0xfe: {  	s3 =	ssub.s32 s3, s21  }
0xff: {  	s2 =	ssub.s32 s2, s29;
	v8 =	vsel vm6, s3, v8;
	s5 =	spop (drf);
	(v2sf) =	vpush v5, $0x8  }
0x100: {  	v8 =	vsel vm7, s2, v8;
	s16 =	spop (drf)  }
0x101: {  	v8 =	vsel vm8, s0, v8;
	s15 =	sxor.u32 s10, s5;
	s21 =	spop (drf);
	(v2sf) =	vpush v5, $0x9  }
0x102: {  	v8 =	vsel vm9, s1, v8;
	s17 =	ssub.s32 s15, s10;
	s22 =	sxor.u32 s19, s21;
	(v2sf) =	vpush v5, $0x5  }
0x103: {  	s20 =	sxor.u32 s18, s16;
	s24 =	spop (drf);
	v8 =	vsel vm10, s17, v8;
	s0 =	ssub.s32 s22, s19  }
0x104: {  	s3 =	ssub.s32 s20, s18;
	s1 =	sxor.u32 s7, s24;
	s28 =	spop (drf);
	(v2sf) =	vpush v5, $0xF;
	v8 =	vsel vm11, s0, v8  }
0x105: {  	s30 =	ssub.s32 s1, s7;
	s31 =	sxor.u32 s23, s28;
	(v2sf) =	vpush v5, $0x4;
	v8 =	vsel vm12, s3, v8  }
0x106: {  	s4 =	smov.u32 s8;
	s1 =	ssub.s32 s31, s23;
	(v2sf) =	vpush v5, $0x3;
	v8 =	vsel vm13, s30, v8  }
0x107: {  	s14 =	sadd.s32 $0x10, s8;
	(v2sf) =	vpush v5, $0x2;
	v8 =	vsel vm14, s1, v8;
	s1 =	rddreg [dreg:$0x6];
	s2 =	spop (v2sf)  }
0x108: {  	[dreg:$0x7] =	wrdreg s14;
	(v2sf) =	vpush v5, $0x0;
	s0 =	sadd.s32 s4, s1;
	s3 =	sshra.s32 s2, $0x1F  }
0x109: {  	p0 =	sne.s32 s8, $0x30;
	v10 =	vadd.s32 s0, v4;
	s4 =	spop (v2sf);
	[dreg:$0x9] =	wrdreg s3  }
0x10a: {  	(v2sf) =	vpush v5, $0x1;
	v11 =	vsub.s32 v10, v5;
	s0 =	sxor.u32 s3, s2;
	s5 =	spop (v2sf);
	s7 =	sshra.s32 s4, $0x1F  }
0x10b: {  	(v2sf) =	vpush v11, $0x4;
	[dreg:$0x8] =	wrdreg s0;
	s8 =	sshra.s32 s5, $0x1F;
	s10 =	spop (v2sf)  }
0x10c: {  	v9 =	vshra.s32 v8, $0x1F;
	(v2sf) =	vpush v11, $0x3;
	s1 =	sxor.u32 s7, s4;
	s14 =	sshra.s32 s10, $0x1F;
	s6 =	spop (v2sf)  }
0x10d: {  	vm15 =	vlt.s32 v6, v7;
	v9 =	vand.u32 v5, v9;
	(v2sf) =	vpush v11, $0xB;
	s0 =	sxor.u32 s8, s5;
	s20 =	ssub.s32 s1, s7;
	s17 =	sshra.s32 s6, $0x1F  }
0x10e: {  	v8 =	vadd.s32 v8, v9;
	(v2sf) =	vpush v11, $0x9;
	s9 =	spop (v2sf);
	s0 =	ssub.s32 s0, s8;
	[dreg:$0xa] =	wrdreg s20  }
0x10f: {  	(v2sf) =	vpush v11, $0x6;
	s4 =	sxor.u32 s14, s10;
	s18 =	sshra.s32 s9, $0x1F;
	[dreg:$0xb] =	wrdreg s0  }
0x110: {  	(v2sf) =	vpush v11, $0x1;
	s11 =	spop (v2sf);
	s22 =	sxor.u32 s17, s6;
	s4 =	ssub.s32 s4, s14  }
0x111: {  	(v2sf) =	vpush v11, $0x0;
	s2 =	sshra.s32 s11, $0x1F;
	s21 =	spop (v2sf);
	s0 =	ssub.s32 s22, s17  }
0x112: {  	s9 =	sxor.u32 s18, s9;
	[dreg:$0xd] =	wrdreg s4;
	s12 =	sshra.s32 s21, $0x1F  }
0x113: {  	v9 =	vld.idx.msk [tilespmem:v8+s25+$0x0], vm15;
	(v2sf) =	vpush v11, $0xF;
	s23 =	spop (v2sf);
	[dreg:$0xc] =	wrdreg s0;
	s22 =	sxor.u32 s2, s11  }
0x114: {  	v8 =	vld.idx.msk [tilespmem:v8+s26+$0x0], vm15;
	s9 =	ssub.s32 s9, s18;
	(v2sf) =	vpush v11, $0x2;
	s31 =	sshra.s32 s23, $0x1F;
	s0 =	spop (v2sf)  }
0x115: {  	s1 =	sxor.u32 s12, s21;
	[dreg:$0xe] =	wrdreg s9;
	(v2sf) =	vpush v11, $0x5;
	s15 =	spop (v2sf)  }
0x116: {  	s13 =	sshra.s32 s0, $0x1F;
	s14 =	sxor.u32 s31, s23;
	s24 =	spop (v2sf)  }
0x117: {  	s16 =	sshra.s32 s15, $0x1F;
	s7 =	sxor.u32 s13, s0;
	s19 =	spop (v2sf);
	(v2sf) =	vpush v11, $0x7  }
0x118: {  	[tilespmem:v6+s25+$0x0] =	vst.idx.msk vm15, v9;
	s9 =	ssub.s32 s14, s31;
	s14 =	ssub.s32 s1, s12;
	s17 =	sshra.s32 s24, $0x1F  }
0x119: {  	[tilespmem:v6+s26+$0x0] =	vst.idx.msk vm15, v8;
	s10 =	sxor.u32 s16, s15;
	s7 =	ssub.s32 s7, s13;
	s26 =	spop (v2sf);
	(v2sf) =	vpush v11, $0x8  }
0x11a: {  	s13 =	ssub.s32 s22, s2;
	s20 =	sshra.s32 s19, $0x1F;
	s30 =	spop (v2sf)  }
0x11b: {  	[dreg:$0xf] =	wrdreg s13;
	s31 =	sxor.u32 s17, s24;
	s29 =	spop (v2sf)  }
0x11c: {  	s28 =	sshra.s32 s26, $0x1F;
	s4 =	sxor.u32 s20, s19;
	s5 =	spop (v2sf)  }
0x11d: {  	s17 =	ssub.s32 s31, s17;
	s8 =	sxor.u32 s28, s26;
	s18 =	spop (v2sf);
	(v2sf) =	vpush v11, $0xA  }
0x11e: {  	s3 =	ssub.s32 s4, s20;
	s23 =	ssub.s32 s8, s28;
	s19 =	spop (v2sf);
	(v2sf) =	vpush v11, $0xD  }
0x11f: {  	s12 =	sshra.s32 s30, $0x1F;
	s24 =	sshra.s32 s29, $0x1F;
	s11 =	spop (v2sf);
	(v2sf) =	vpush v11, $0xE  }
0x120: {  	s30 =	sxor.u32 s12, s30;
	s29 =	sxor.u32 s24, s29;
	s2 =	spop (v2sf);
	(v2sf) =	vpush v11, $0xC  }
0x121: {  	s28 =	ssub.s32 s10, s16;
	s30 =	ssub.s32 s30, s12;
	s20 =	ssub.s32 s29, s24  }
0x122: {  	s13 =	sshra.s32 s18, $0x1F;
	s21 =	sshra.s32 s19, $0x1F;
	s15 =	spop (v2sf);
	(v2sf) =	vpush v5, $0x6  }
0x123: {  	s25 =	sshra.s32 s11, $0x1F;
	s6 =	sshra.s32 s2, $0x1F;
	s1 =	spop (v2sf)  }
0x124: {  	s16 =	sshra.s32 s15, $0x1F;
	s2 =	sxor.u32 s6, s2;
	s29 =	spop (v2sf)  }
0x125: {  	s4 =	sshra.s32 s1, $0x1F;
	s8 =	sxor.u32 s16, s15;
	s26 =	sshra.s32 s29, $0x1F  }
0x126: {  	s1 =	sxor.u32 s4, s1;
	s29 =	sxor.u32 s26, s29;
	s22 =	spop (v2sf)  }
0x127: {  	s8 =	ssub.s32 s8, s16;
	s31 =	ssub.s32 s29, s26;
	s29 =	sshra.s32 s22, $0x1F  }
0x128: {  	s10 =	spop (v2sf);
	(v2sf) =	vpush v5, $0xE;
	s0 =	sxor.u32 s29, s22;
	s22 =	ssub.s32 s2, s6  }
0x129: {  	s15 =	ssub.s32 s1, s4;
	s2 =	sshra.s32 s10, $0x1F;
	(drf) =	srem.u32 s22, s3  }
0x12a: {  	s0 =	ssub.s32 s0, s29;
	s10 =	sxor.u32 s2, s10;
	(drf) =	srem.u32 s20, s28  }
0x12b: {  	[dreg:$0x10] =	wrdreg s0;
	s20 =	ssub.s32 s10, s2;
	(drf) =	srem.u32 s30, s7  }
0x12c: {  	s28 =	sxor.u32 s13, s18;
	(drf) =	srem.u32 s15, s17;
	s3 =	spop (v2sf)  }
0x12d: {  	(drf) =	srem.u32 s31, s14;
	s0 =	spop (v2sf);
	s10 =	sshra.s32 s3, $0x1F  }
0x12e: {  	(drf) =	srem.u32 s8, s9;
	s22 =	spop (v2sf);
	s30 =	sxor.u32 s10, s3  }
0x12f: {  	s7 =	sshra.s32 s0, $0x1F;
	s15 =	spop (v2sf);
	s1 =	ssub.s32 s30, s10  }
0x130: {  	s30 =	sxor.u32 s21, s19;
	s19 =	sshra.s32 s5, $0x1F;
	s0 =	sxor.u32 s7, s0  }
0x131: {  	s3 =	spop (v2sf);
	s18 =	sshra.s32 s15, $0x1F;
	s9 =	ssub.s32 s30, s21  }
0x132: {  	s5 =	sxor.u32 s19, s5;
	s0 =	ssub.s32 s0, s7;
	s31 =	sshra.s32 s3, $0x1F  }
0x133: {  	s17 =	sxor.u32 s18, s15;
	s15 =	sxor.u32 s25, s11;
	s3 =	sxor.u32 s31, s3  }
0x134: {  	s8 =	ssub.s32 s15, s25;
	s3 =	ssub.s32 s3, s31;
	s31 =	spop (drf)  }
0x135: {  	s5 =	ssub.s32 s5, s19;
	(drf) =	srem.u32 s8, s23;
	s14 =	spop (drf)  }
0x136: {  	s11 =	sxor.u32 s6, s31;
	s8 =	sxor.u32 s24, s14;
	s14 =	spop (drf)  }
0x137: {  	s17 =	ssub.s32 s17, s18;
	s30 =	spop (v2sf);
	s6 =	ssub.s32 s11, s6  }
0x138: {  	s11 =	ssub.s32 s28, s13;
	s31 =	sshra.s32 s30, $0x1F;
	s15 =	spop (drf)  }
0x139: {  	s14 =	sxor.u32 s12, s14;
	s8 =	ssub.s32 s8, s24;
	s24 =	rddreg [dreg:$0x8]  }
0x13a: {  	s23 =	sxor.u32 s4, s15;
	s15 =	rddreg [dreg:$0xe];
	s28 =	spop (drf)  }
0x13b: {  	s12 =	ssub.s32 s14, s12;
	s30 =	sxor.u32 s31, s30;
	(drf) =	srem.u32 s20, s15  }
0x13c: {  	s15 =	spop (drf);
	s4 =	ssub.s32 s23, s4;
	s23 =	rddreg [dreg:$0xf]  }
0x13d: {  	s20 =	sxor.u32 s26, s28;
	s28 =	rddreg [dreg:$0x10];
	(drf) =	srem.u32 s11, s23  }
0x13e: {  	s11 =	sxor.u32 s16, s15;
	s23 =	sshra.s32 s22, $0x1F;
	s15 =	rddreg [dreg:$0xc]  }
0x13f: {  	(drf) =	srem.u32 s28, s15;
	s14 =	sxor.u32 s23, s22;
	s22 =	rddreg [dreg:$0xd]  }
0x140: {  	s11 =	ssub.s32 s11, s16;
	s28 =	spop (drf);
	(drf) =	srem.u32 s9, s3  }
0x141: {  	v8 =	vmov s11;
	s15 =	sxor.u32 s25, s28;
	(drf) =	srem.u32 s1, s22;
	s28 =	rddreg [dreg:$0x9]  }
0x142: {  	v8 =	vsel vm0, s6, v8;
	s16 =	ssub.s32 s15, s25;
	s25 =	simm.s32 $0x8C80;
	s15 =	rddreg [dreg:$0xb]  }
0x143: {  	(drf) =	srem.u32 s17, s15;
	v8 =	vsel vm1, s16, v8;
	s16 =	ssub.s32 s20, s26;
	s20 =	rddreg [dreg:$0xa]  }
0x144: {  	s1 =	ssub.s32 s24, s28;
	s17 =	spop (drf);
	(drf) =	srem.u32 s5, s20  }
.Ltmp9:
0x145: {  	s24 =	ssub.s32 s30, s31;
	s28 =	ssub.s32 s14, s23;
	v8 =	vsel vm2, s4, v8;
	(pc) =	sbr.rel @p0 .LBB2_12-.Ltmp9, $4  }
0x146: {  	s26 =	simm.s32 $0xCC80;
	v8 =	vsel vm3, s8, v8;
	s8 =	rddreg [dreg:$0x7];
	(drf) =	srem.u32 s0, s1  }
0x147: {  	s22 =	sxor.u32 s2, s17;
	s30 =	spop (drf);
	(drf) =	srem.u32 s28, s24  }
0x148: {  	v8 =	vsel vm4, s12, v8;
	s0 =	ssub.s32 s22, s2;
	s1 =	sxor.u32 s13, s30;
	s31 =	spop (drf)  }
0x149: {  	v6 =	vmov v10;
	v8 =	vsel vm5, s16, v8;
	s2 =	sxor.u32 s29, s31;
	s1 =	ssub.s32 s1, s13;
	s3 =	spop (drf)  }
0x14a: {  	s3 =	sxor.u32 s21, s3  }
0x14b: {  	s3 =	ssub.s32 s3, s21  }
0x14c: {  	s2 =	ssub.s32 s2, s29;
	s4 =	spop (drf);
	v8 =	vsel vm6, s3, v8  }
0x14d: {  	s11 =	spop (drf);
	v8 =	vsel vm7, s2, v8  }
0x14e: {  	s12 =	sxor.u32 s10, s4;
	s13 =	spop (drf);
	v8 =	vsel vm8, s0, v8  }
0x14f: {  	s14 =	ssub.s32 s12, s10;
	s15 =	sxor.u32 s19, s13;
	v8 =	vsel vm9, s1, v8  }
0x150: {  	s16 =	sxor.u32 s18, s11;
	s2 =	ssub.s32 s15, s19;
	s17 =	spop (drf);
	v8 =	vsel vm10, s14, v8  }
0x151: {  	s19 =	ssub.s32 s16, s18;
	s20 =	sxor.u32 s7, s17;
	s21 =	spop (drf);
	v8 =	vsel vm11, s2, v8  }
0x152: {  	s1 =	ssub.s32 s20, s7;
	s22 =	sxor.u32 s23, s21;
	v8 =	vsel vm12, s19, v8  }
0x153: {  	s24 =	ssub.s32 s22, s23;
	v8 =	vsel vm13, s1, v8  }
0x154: {  	v8 =	vsel vm14, s24, v8  }
0x155: {  	v9 =	vshra.s32 v8, $0x1F  }
0x156: {  	vm0 =	vlt.s32 v6, v7;
	v5 =	vand.u32 v5, v9  }
0x157: {  	v5 =	vadd.s32 v8, v5;
	_ =	sdelay $0x1  }
0x158: {  	s9 =	rddreg [dreg:$0x1]  }
0x159: {  	s30 =	rddreg [dreg:$0x13]  }
0x15a: {  	s31 =	rddreg [dreg:$0x14]  }
0x15b: {  	s10 =	rddreg [dreg:$0x2];
	v7 =	vld.idx.msk [tilespmem:v5+s25+$0x0], vm0  }
0x15c: {  	s12 =	rddreg [dreg:$0x4];
	v5 =	vld.idx.msk [tilespmem:v5+s26+$0x0], vm0  }
0x15d: {  	s28 =	simm.s32 $0x18F80;
	s29 =	simm.s32 $0x10D00;
	s11 =	rddreg [dreg:$0x3]  }
0x15e: {  	s13 =	simm.s32 $0x0;
	s15 =	simm.s32 $0x1;
	s16 =	simm.s32 $0x8000  }
0x15f: {  	s18 =	simm.s32 $0x10C80;
	s14 =	simm.s32 $0x4000;
	s17 =	simm.s32 $0x40  }
0x160: {  	s20 =	simm.s32 $0x12E00;
	s21 =	simm.s32 $0x3;
	s19 =	simm.s32 $0x10E00;
	[tilespmem:v6+s25+$0x0] =	vst.idx.msk vm0, v7  }
0x161: {  	s22 =	simm.s32 $0x16E00;
	s23 =	simm.s32 $0x16F80;
	s24 =	simm.s32 $0x16E80;
	[tilespmem:v6+s26+$0x0] =	vst.idx.msk vm0, v5  }
.LBB2_14:
0x162: {  	p0 =	slt.s32 s31, $0x1  }
.Ltmp10:
0x163: {  	_ = 	snop;
	(pc) =	sbr.rel @p0 .LBB2_26-.Ltmp10, $1  }
0x164: {  	_ =	sdelay $0x3  }
0x165: {  	v5 =	vld [tilespmem:$0x8C80]  }
0x166: {  	v6 =	vld [tilespmem:$0xCC80]  }
0x167: {  	v7 =	vld [tilespmem:$0x8C90];
	_ =	sdelay $0x2  }
0x168: {  	v8 =	vld [tilespmem:$0xCC90];
	[tilespmem:$0x10C80] =	vst v5  }
0x169: {  	v63 =	vld [tilespmem:$0xCCB0];
	[tilespmem:$0x10D80] =	vst v6  }
0x16a: {  	v5 =	vadd.s32 $0x186A0, v5;
	[tilespmem:$0x10C90] =	vst v7;
	v6 =	vadd.s32 $0x186A0, v7;
	v7 =	vld [tilespmem:$0xCCA0]  }
0x16b: {  	[tilespmem:$0x10D00] =	vst v5;
	v5 =	vld [tilespmem:$0x8CA0]  }
0x16c: {  	[tilespmem:$0x10D10] =	vst v6;
	v6 =	vld [tilespmem:$0x8CB0]  }
0x16d: {  	[tilespmem:$0x10D90] =	vst v8  }
0x16e: {  	[tilespmem:$0x10DB0] =	vst v63  }
0x16f: {  	[tilespmem:$0x10DA0] =	vst v7  }
0x170: {  	[tilespmem:$0x10CA0] =	vst v5  }
0x171: {  	v5 =	vadd.s32 $0x186A0, v5;
	[tilespmem:$0x10CB0] =	vst v6  }
0x172: {  	[tilespmem:$0x10D20] =	vst v5;
	v5 =	vadd.s32 $0x186A0, v6  }
0x173: {  	[tilespmem:$0x10D30] =	vst v5  }
0x174: {  	[tilespmem:s19], [sflag:$0x1] =	stream.indirect.gather [hbm4b:s10+s17], $0x80, s18, s17, $0xb8;
	[tilespmem:$0x1CF80] =	vst v63  }
.Ltmp11:
0x175: {  	_ = 	snop;
	(pc) =	sbr.rel .LBB2_16-.Ltmp11, $4  }
0x176: {  	[tilespmem:s20], [sflag:$0x1] =	stream.indirect.gather [hbm4b:s11+s17], $0x80, s18, s17, $0xb8;
	[tilespmem:$0x1CF80] =	vst v63  }
0x177: {  	s0 =	simm.s32 $0x10D80;
	s1 =	simm.s32 $0x14E00  }
0x178: {  	[tilespmem:s1], [sflag:$0x1] =	stream.indirect.gather [hbm4b:s9+s17], $0x80, s0, s17, $0xb8;
	[tilespmem:$0x1CF80] =	vst v63  }
0x179: {  	s1 =	simm.s32 $0x0  }
.LBB2_23:
0x17a: {  	p0 =	sne.s32 s0, s31  }
.Ltmp12:
0x17b: {  	_ = 	snop;
	(pc) =	sbr.rel @!p0 .LBB2_24-.Ltmp12, $2  }
0x17c: {  	_ =	sdelay $0x2  }
0x17d: {  	s1 =	smov.u32 s0  }
.LBB2_16:
0x17e: {  	s7 =	sand.u32 $0x1, s1  }
0x17f: {  	p0 =	seq.s32 s7, $0x1  }
.Ltmp13:
0x180: {  	_ = 	snop;
	(pc) =	sbr.rel @p0 .LBB2_20-.Ltmp13, $1  }
0x181: {  	_ =	sdelay $0x3  }
0x182: {  	s0 =	sor.u32 $0x1, s1  }
0x183: {  	p0 =	sge.s32 s0, s31  }
0x184: {  	p1 =	seq.s32 @!p0 s1, $0x0  }
0x185: {  	p1 =	por p1, p0  }
0x186: {  	s2 =	simm.s32 @!p1 $0x4  }
0x187: {  	_ =	swait.ge @!p1 [sflag:s2], $0x2000  }
0x188: {  	[sflag:s2] =	ssyncset.done @!p1 $0x0  }
0x189: {  	[sflag:s2] =	ssyncadd.s32 @!p1 $0xFFFFE000  }
0x18a: {  	_ =	swait.ge @!p1 [sflag:s2], $0x2000  }
0x18b: {  	[sflag:s2] =	ssyncset.done @!p1 $0x0  }
0x18c: {  	[sflag:s2] =	ssyncadd.s32 @!p1 $0xFFFFE000;
	s2 =	sshll.u32 @!p0 s0, $0x6  }
0x18d: {  	v5 =	vld @!p0 [tilespmem:s2+$0x8C80];
	_ =	sdelay $0x4  }
0x18e: {  	[tilespmem:$0x16E00] =	vst @!p0 v5;
	v5 =	vadd.s32 @!p0 $0x186A0, v5  }
0x18f: {  	[tilespmem:$0x16E80] =	vst @!p0 v5  }
0x190: {  	v5 =	vld @!p0 [tilespmem:s2+$0xCC80];
	_ =	sdelay $0x4  }
0x191: {  	[tilespmem:$0x16F00] =	vst @!p0 v5  }
0x192: {  	v5 =	vld @!p0 [tilespmem:s2+$0x8C90];
	_ =	sdelay $0x4  }
0x193: {  	[tilespmem:$0x16E10] =	vst @!p0 v5;
	v5 =	vadd.s32 @!p0 $0x186A0, v5  }
0x194: {  	[tilespmem:$0x16E90] =	vst @!p0 v5  }
0x195: {  	v5 =	vld @!p0 [tilespmem:s2+$0xCC90];
	_ =	sdelay $0x4  }
0x196: {  	[tilespmem:$0x16F10] =	vst @!p0 v5  }
0x197: {  	v5 =	vld @!p0 [tilespmem:s2+$0x8CA0];
	_ =	sdelay $0x4  }
0x198: {  	[tilespmem:$0x16E20] =	vst @!p0 v5;
	v5 =	vadd.s32 @!p0 $0x186A0, v5  }
0x199: {  	[tilespmem:$0x16EA0] =	vst @!p0 v5  }
0x19a: {  	v5 =	vld @!p0 [tilespmem:s2+$0xCCA0];
	_ =	sdelay $0x4  }
0x19b: {  	[tilespmem:$0x16F20] =	vst @!p0 v5  }
0x19c: {  	v5 =	vld @!p0 [tilespmem:s2+$0x8CB0];
	_ =	sdelay $0x4  }
0x19d: {  	[tilespmem:$0x16E30] =	vst @!p0 v5;
	v5 =	vadd.s32 @!p0 $0x186A0, v5  }
0x19e: {  	[tilespmem:$0x16EB0] =	vst @!p0 v5  }
0x19f: {  	v5 =	vld @!p0 [tilespmem:s2+$0xCCB0];
	_ =	sdelay $0x4  }
0x1a0: {  	s3 =	simm.s32 @!p0 $0x16E00;
	s4 =	simm.s32 @!p0 $0x16F80;
	s2 =	simm.s32 @!p0 $0x40;
	[tilespmem:$0x16F30] =	vst @!p0 v5  }
0x1a1: {  	[tilespmem:s4], [sflag:$0x3] =	stream.indirect.gather @!p0 [hbm4b:s10+s2], $0x80, s3, s2, $0xb8;
	[tilespmem:$0x1CF80] =	vst v63  }
0x1a2: {  	s4 =	simm.s32 @!p0 $0x18F80  }
0x1a3: {  	[tilespmem:s4], [sflag:$0x3] =	stream.indirect.gather @!p0 [hbm4b:s11+s2], $0x80, s3, s2, $0xb8;
	[tilespmem:$0x1CF80] =	vst v63  }
0x1a4: {  	s3 =	simm.s32 @!p0 $0x16F00;
	s4 =	simm.s32 @!p0 $0x1AF80  }
0x1a5: {  	[tilespmem:s4], [sflag:$0x3] =	stream.indirect.gather @!p0 [hbm4b:s9+s2], $0x80, s3, s2, $0xb8;
	[tilespmem:$0x1CF80] =	vst v63  }
0x1a6: {  	_ =	swait.ge [sflag:s15], $0x2000  }
0x1a7: {  	[sflag:s15] =	ssyncset.done $0x0  }
0x1a8: {  	[sflag:s15] =	ssyncadd.s32 $0xFFFFE000  }
0x1a9: {  	_ =	swait.ge [sflag:s15], $0x2000  }
0x1aa: {  	[sflag:s15] =	ssyncset.done $0x0  }
0x1ab: {  	[sflag:s15] =	ssyncadd.s32 $0xFFFFE000  }
0x1ac: {  	_ =	swait.ge [sflag:s15], $0x2000  }
0x1ad: {  	[sflag:s15] =	ssyncset.done $0x0  }
0x1ae: {  	s4 =	simm.s32 $0x14E20;
	[sflag:s15] =	ssyncadd.s32 $0xFFFFE000  }
0x1af: {  	s5 =	simm.s32 $0x10E20;
	v5 =	vld [tilespmem:s4+$0x10]  }
0x1b0: {  	v6 =	vld [tilespmem:s5+$0x10]  }
0x1b1: {  	v7 =	vld [tilespmem:s4+$0xFFFFFFF0]  }
0x1b2: {  	v9 =	vld [tilespmem:s4+$0x0]  }
0x1b3: {  	v10 =	vld [tilespmem:s4+$0xFFFFFFE0]  }
0x1b4: {  	v11 =	vld [tilespmem:s5+$0xFFFFFFE0]  }
0x1b5: {  	v12 =	vld [tilespmem:s5+$0xFFFFFFF0]  }
0x1b6: {  	s6 =	simm.s32 $0x14E60;
	v13 =	vld [tilespmem:s5+$0x0];
	v8 =	vadd.f32 $1.000000000e+00, v5  }
0x1b7: {  	v15 =	vld [tilespmem:s6+$0xFFFFFFF0]  }
0x1b8: {  	v6 =	vadd.f32 v8, v6;
	v8 =	vld [tilespmem:s6+$0x10]  }
0x1b9: {  	s2 =	simm.s32 $0x10E60;
	v18 =	vld [tilespmem:s6+$0x0]  }
0x1ba: {  	[tilespmem:s5+$0x10] =	vst v6;
	v6 =	vld [tilespmem:s2+$0x10]  }
0x1bb: {  	s8 =	simm.s32 $0x12E20;
	v19 =	vld [tilespmem:s6+$0xFFFFFFE0];
	v16 =	vadd.f32 $1.000000000e+00, v10  }
0x1bc: {  	v17 =	vadd.f32 $1.000000000e+00, v7;
	v14 =	vld [tilespmem:s8+$0x10]  }
0x1bd: {  	v22 =	vld [tilespmem:s2+$0xFFFFFFF0];
	v11 =	vadd.f32 v16, v11;
	v20 =	vadd.f32 $1.000000000e+00, v8  }
0x1be: {  	v21 =	vadd.f32 $1.000000000e+00, v9;
	v16 =	vld [tilespmem:s2+$0xFFFFFFE0];
	v12 =	vadd.f32 v17, v12  }
0x1bf: {  	v63 =	vadd.f32 $1.000000000e+00, v15;
	v17 =	vmul.f32 v5, v5;
	[tilespmem:s5+$0xFFFFFFE0] =	vst v11;
	v11 =	vld [tilespmem:s2+$0x0];
	v20 =	vadd.f32 v20, v6  }
0x1c0: {  	v23 =	vadd.f32 $1.000000000e+00, v19;
	[tilespmem:s5+$0xFFFFFFF0] =	vst v12;
	v12 =	vld [tilespmem:s8+$0xFFFFFFE0];
	v6 =	vmul.f32 v9, v9;
	v9 =	vadd.f32 v21, v13  }
0x1c1: {  	s3 =	simm.s32 $0x12E60;
	v5 =	vmul.f32 v7, v7;
	v7 =	vmul.f32 v10, v10;
	v13 =	vld [tilespmem:s8+$0xFFFFFFF0];
	v14 =	vadd.f32 v14, v17;
	[tilespmem:s2+$0x10] =	vst v20  }
0x1c2: {  	v10 =	vmul.f32 v15, v15;
	v17 =	vadd.f32 $1.000000000e+00, v18;
	[tilespmem:s5+$0x0] =	vst v9;
	v9 =	vmul.f32 v18, v18;
	v15 =	vld [tilespmem:s3+$0x10]  }
0x1c3: {  	s4 =	simm.s32 $0x4;
	s6 =	simm.s32 $0x10E60;
	v18 =	vadd.f32 v63, v22;
	s5 =	simm.s32 $0x14EA0;
	[tilespmem:s8+$0x10] =	vst v14;
	v14 =	vmul.f32 v19, v19;
	v19 =	vadd.f32 v23, v16;
	v16 =	vld [tilespmem:s8+$0x0]  }
.LBB2_18:
0x1c4: {  	v20 =	vld [tilespmem:s5+$0x10];
	s4 =	sadd.s32 $0x4, s4;
	v11 =	vadd.f32 v17, v11  }
0x1c5: {  	v8 =	vmul.f32 v8, v8;
	s6 =	sadd.s32 $0x40, s6;
	v17 =	vld [tilespmem:s5+$0xFFFFFFF0];
	p0 =	slt.u32 s4, $0x1FC;
	[tilespmem:s2+$0xFFFFFFE0] =	vst v19;
	v12 =	vadd.f32 v12, v7;
	v7 =	vmov v14  }
0x1c6: {  	v14 =	vld [tilespmem:s6+$0x10];
	[tilespmem:s2+$0xFFFFFFF0] =	vst v18;
	v13 =	vadd.f32 v13, v5;
	v5 =	vmov v10  }
0x1c7: {  	v18 =	vld [tilespmem:s5+$0x0];
	[tilespmem:s2+$0x0] =	vst v11;
	v10 =	vadd.f32 v15, v8;
	s2 =	smov.u32 s6  }
0x1c8: {  	v15 =	vld [tilespmem:s5+$0xFFFFFFE0];
	[tilespmem:s8+$0xFFFFFFE0] =	vst v12;
	v12 =	vadd.f32 v16, v6;
	v6 =	vmov v9  }
0x1c9: {  	v16 =	vld [tilespmem:s6+$0xFFFFFFE0];
	v9 =	vadd.f32 $1.000000000e+00, v20;
	[tilespmem:s3+$0x10] =	vst v10;
	v8 =	vmov v20  }
0x1ca: {  	v20 =	vld [tilespmem:s6+$0xFFFFFFF0];
	v21 =	vadd.f32 $1.000000000e+00, v17;
	v10 =	vmul.f32 v17, v17;
	[tilespmem:s8+$0xFFFFFFF0] =	vst v13  }
.Ltmp14:
0x1cb: {  	v11 =	vld [tilespmem:s6+$0x0];
	v13 =	vadd.f32 v9, v14;
	[tilespmem:s8+$0x0] =	vst v12;
	s8 =	smov.u32 s3;
	(pc) =	sbr.rel @p0 .LBB2_18-.Ltmp14, $4  }
0x1cc: {  	v17 =	vadd.f32 $1.000000000e+00, v18;
	v9 =	vmul.f32 v18, v18;
	v12 =	vld [tilespmem:s3+$0xFFFFFFE0]  }
0x1cd: {  	s3 =	sadd.s32 $0x40, s3;
	v18 =	vadd.f32 $1.000000000e+00, v15;
	v14 =	vmul.f32 v15, v15;
	[tilespmem:s6+$0x10] =	vst v13;
	v13 =	vld [tilespmem:s8+$0xFFFFFFF0]  }
0x1ce: {  	v15 =	vld [tilespmem:s3+$0x10]  }
0x1cf: {  	s5 =	sadd.s32 $0x40, s5;
	v19 =	vadd.f32 v18, v16;
	v18 =	vadd.f32 v21, v20;
	v16 =	vld [tilespmem:s8+$0x0]  }
0x1d0: {  	_ = 	snop  }
0x1d1: {  	v11 =	vadd.f32 v17, v11;
	[tilespmem:s2+$0xFFFFFFE0] =	vst v19  }
0x1d2: {  	[tilespmem:s2+$0xFFFFFFF0] =	vst v18;
	v61 =	vld [tilespmem:s3+$0xFFFFFFE0]  }
0x1d3: {  	v8 =	vmul.f32 v8, v8;
	v7 =	vadd.f32 v12, v7;
	[tilespmem:s2+$0x0] =	vst v11;
	v62 =	vld [tilespmem:s3+$0xFFFFFFF0]  }
0x1d4: {  	v5 =	vadd.f32 v13, v5;
	v63 =	vld [tilespmem:s3+$0x0]  }
0x1d5: {  	v8 =	vadd.f32 v15, v8;
	[tilespmem:s8+$0xFFFFFFE0] =	vst v7  }
0x1d6: {  	v6 =	vadd.f32 v16, v6;
	[tilespmem:s8+$0xFFFFFFF0] =	vst v5  }
0x1d7: {  	[tilespmem:s3+$0x10] =	vst v8;
	v5 =	vadd.f32 v61, v14  }
0x1d8: {  	[tilespmem:s8+$0x0] =	vst v6;
	v6 =	vadd.f32 v62, v10  }
0x1d9: {  	p0 =	seq.s32 s7, $0x0;
	[tilespmem:s3+$0xFFFFFFE0] =	vst v5;
	v5 =	vadd.f32 v63, v9  }
.Ltmp15:
0x1da: {  	[tilespmem:s3+$0xFFFFFFF0] =	vst v6;
	(pc) =	sbr.rel @p0 .LBB2_23-.Ltmp15, $4  }
0x1db: {  	[tilespmem:s3+$0x0] =	vst v5  }
0x1dc: {  	[hbm4b:s12+s17] =	stream.indirect.scatter [tilespmem:s19], [sflag:$0x2], $0x80, s18, s17, $0xb8;
	[tilespmem:$0x1CF80] =	vst v63  }
0x1dd: {  	_ = 	snop  }
0x1de: {  	[hbm4b:s12+s17] =	stream.indirect.scatter [tilespmem:s20], [sflag:$0x2], $0x80, s29, s17, $0xb8;
	[tilespmem:$0x1CF80] =	vst v63  }
.LBB2_20:
0x1df: {  	s0 =	sadd.s32 $0x1, s1  }
0x1e0: {  	p0 =	sge.s32 s0, s31  }
0x1e1: {  	s1 =	simm.s32 @!p0 $0x2  }
0x1e2: {  	_ =	swait.ge @!p0 [sflag:s1], $0x2000  }
0x1e3: {  	[sflag:s1] =	ssyncset.done @!p0 $0x0  }
0x1e4: {  	[sflag:s1] =	ssyncadd.s32 @!p0 $0xFFFFE000  }
0x1e5: {  	_ =	swait.ge @!p0 [sflag:s1], $0x2000  }
0x1e6: {  	[sflag:s1] =	ssyncset.done @!p0 $0x0  }
0x1e7: {  	[sflag:s1] =	ssyncadd.s32 @!p0 $0xFFFFE000;
	s1 =	sshll.u32 @!p0 s0, $0x6  }
0x1e8: {  	v5 =	vld @!p0 [tilespmem:s1+$0x8C80];
	_ =	sdelay $0x4  }
0x1e9: {  	[tilespmem:$0x10C80] =	vst @!p0 v5;
	v5 =	vadd.s32 @!p0 $0x186A0, v5  }
0x1ea: {  	[tilespmem:$0x10D00] =	vst @!p0 v5  }
0x1eb: {  	v5 =	vld @!p0 [tilespmem:s1+$0xCC80];
	_ =	sdelay $0x4  }
0x1ec: {  	[tilespmem:$0x10D80] =	vst @!p0 v5  }
0x1ed: {  	v5 =	vld @!p0 [tilespmem:s1+$0x8C90];
	_ =	sdelay $0x4  }
0x1ee: {  	[tilespmem:$0x10C90] =	vst @!p0 v5;
	v5 =	vadd.s32 @!p0 $0x186A0, v5  }
0x1ef: {  	[tilespmem:$0x10D10] =	vst @!p0 v5  }
0x1f0: {  	v5 =	vld @!p0 [tilespmem:s1+$0xCC90];
	_ =	sdelay $0x4  }
0x1f1: {  	[tilespmem:$0x10D90] =	vst @!p0 v5  }
0x1f2: {  	v5 =	vld @!p0 [tilespmem:s1+$0x8CA0];
	_ =	sdelay $0x4  }
0x1f3: {  	[tilespmem:$0x10CA0] =	vst @!p0 v5;
	v5 =	vadd.s32 @!p0 $0x186A0, v5  }
0x1f4: {  	[tilespmem:$0x10D20] =	vst @!p0 v5  }
0x1f5: {  	v5 =	vld @!p0 [tilespmem:s1+$0xCCA0];
	_ =	sdelay $0x4  }
0x1f6: {  	[tilespmem:$0x10DA0] =	vst @!p0 v5  }
0x1f7: {  	v5 =	vld @!p0 [tilespmem:s1+$0x8CB0];
	_ =	sdelay $0x4  }
0x1f8: {  	[tilespmem:$0x10CB0] =	vst @!p0 v5;
	v5 =	vadd.s32 @!p0 $0x186A0, v5  }
0x1f9: {  	[tilespmem:$0x10D30] =	vst @!p0 v5  }
0x1fa: {  	v5 =	vld @!p0 [tilespmem:s1+$0xCCB0];
	_ =	sdelay $0x4  }
0x1fb: {  	s2 =	simm.s32 @!p0 $0x10C80;
	s3 =	simm.s32 @!p0 $0x10E00;
	s1 =	simm.s32 @!p0 $0x40;
	[tilespmem:$0x10DB0] =	vst @!p0 v5  }
0x1fc: {  	[tilespmem:s3], [sflag:$0x1] =	stream.indirect.gather @!p0 [hbm4b:s10+s1], $0x80, s2, s1, $0xb8;
	[tilespmem:$0x1CF80] =	vst v63  }
0x1fd: {  	s3 =	simm.s32 @!p0 $0x12E00  }
0x1fe: {  	[tilespmem:s3], [sflag:$0x1] =	stream.indirect.gather @!p0 [hbm4b:s11+s1], $0x80, s2, s1, $0xb8;
	[tilespmem:$0x1CF80] =	vst v63  }
0x1ff: {  	s2 =	simm.s32 @!p0 $0x10D80;
	s3 =	simm.s32 @!p0 $0x14E00  }
0x200: {  	[tilespmem:s3], [sflag:$0x1] =	stream.indirect.gather @!p0 [hbm4b:s9+s1], $0x80, s2, s1, $0xb8;
	[tilespmem:$0x1CF80] =	vst v63  }
0x201: {  	_ =	swait.ge [sflag:s21], $0x2000  }
0x202: {  	[sflag:s21] =	ssyncset.done $0x0  }
0x203: {  	[sflag:s21] =	ssyncadd.s32 $0xFFFFE000  }
0x204: {  	_ =	swait.ge [sflag:s21], $0x2000  }
0x205: {  	[sflag:s21] =	ssyncset.done $0x0  }
0x206: {  	[sflag:s21] =	ssyncadd.s32 $0xFFFFE000  }
0x207: {  	_ =	swait.ge [sflag:s21], $0x2000  }
0x208: {  	[sflag:s21] =	ssyncset.done $0x0  }
0x209: {  	s7 =	simm.s32 $0x1AFA0;
	[sflag:s21] =	ssyncadd.s32 $0xFFFFE000  }
0x20a: {  	s4 =	simm.s32 $0x16FA0;
	v5 =	vld [tilespmem:s7+$0x10]  }
0x20b: {  	v6 =	vld [tilespmem:s4+$0x10]  }
0x20c: {  	v7 =	vld [tilespmem:s7+$0xFFFFFFF0]  }
0x20d: {  	v9 =	vld [tilespmem:s7+$0x0]  }
0x20e: {  	v10 =	vld [tilespmem:s7+$0xFFFFFFE0]  }
0x20f: {  	v11 =	vld [tilespmem:s4+$0xFFFFFFE0]  }
0x210: {  	v12 =	vld [tilespmem:s4+$0xFFFFFFF0]  }
0x211: {  	s8 =	simm.s32 $0x1AFE0;
	v13 =	vld [tilespmem:s4+$0x0];
	v8 =	vadd.f32 $1.000000000e+00, v5  }
0x212: {  	v15 =	vld [tilespmem:s8+$0xFFFFFFF0]  }
0x213: {  	v6 =	vadd.f32 v8, v6;
	v8 =	vld [tilespmem:s8+$0x10]  }
0x214: {  	s2 =	simm.s32 $0x16FE0;
	v18 =	vld [tilespmem:s8+$0x0]  }
0x215: {  	[tilespmem:s4+$0x10] =	vst v6;
	v6 =	vld [tilespmem:s2+$0x10]  }
0x216: {  	s1 =	simm.s32 $0x18FA0;
	v19 =	vld [tilespmem:s8+$0xFFFFFFE0];
	v16 =	vadd.f32 $1.000000000e+00, v10  }
0x217: {  	v17 =	vadd.f32 $1.000000000e+00, v7;
	v14 =	vld [tilespmem:s1+$0x10]  }
0x218: {  	v22 =	vld [tilespmem:s2+$0xFFFFFFF0];
	v11 =	vadd.f32 v16, v11;
	v20 =	vadd.f32 $1.000000000e+00, v8  }
0x219: {  	v21 =	vadd.f32 $1.000000000e+00, v9;
	v16 =	vld [tilespmem:s2+$0xFFFFFFE0];
	v12 =	vadd.f32 v17, v12  }
0x21a: {  	v63 =	vadd.f32 $1.000000000e+00, v15;
	v17 =	vmul.f32 v5, v5;
	[tilespmem:s4+$0xFFFFFFE0] =	vst v11;
	v11 =	vld [tilespmem:s2+$0x0];
	v20 =	vadd.f32 v20, v6  }
0x21b: {  	v23 =	vadd.f32 $1.000000000e+00, v19;
	[tilespmem:s4+$0xFFFFFFF0] =	vst v12;
	v12 =	vld [tilespmem:s1+$0xFFFFFFE0];
	v6 =	vmul.f32 v9, v9;
	v9 =	vadd.f32 v21, v13  }
0x21c: {  	s3 =	simm.s32 $0x18FE0;
	v5 =	vmul.f32 v7, v7;
	v7 =	vmul.f32 v10, v10;
	v13 =	vld [tilespmem:s1+$0xFFFFFFF0];
	v14 =	vadd.f32 v14, v17;
	[tilespmem:s2+$0x10] =	vst v20  }
0x21d: {  	v10 =	vmul.f32 v15, v15;
	v17 =	vadd.f32 $1.000000000e+00, v18;
	[tilespmem:s4+$0x0] =	vst v9;
	v9 =	vmul.f32 v18, v18;
	v15 =	vld [tilespmem:s3+$0x10]  }
0x21e: {  	s5 =	simm.s32 $0x1B020;
	s6 =	simm.s32 $0x16FE0;
	s4 =	simm.s32 $0x4;
	v18 =	vadd.f32 v63, v22;
	[tilespmem:s1+$0x10] =	vst v14;
	v14 =	vmul.f32 v19, v19;
	v19 =	vadd.f32 v23, v16;
	v16 =	vld [tilespmem:s1+$0x0]  }
.LBB2_21:
0x21f: {  	v20 =	vld [tilespmem:s5+$0x10];
	s4 =	sadd.s32 $0x4, s4;
	v11 =	vadd.f32 v17, v11  }
0x220: {  	v8 =	vmul.f32 v8, v8;
	s6 =	sadd.s32 $0x40, s6;
	v17 =	vld [tilespmem:s5+$0xFFFFFFF0];
	p0 =	slt.u32 s4, $0x1FC;
	[tilespmem:s2+$0xFFFFFFE0] =	vst v19;
	v12 =	vadd.f32 v12, v7;
	v7 =	vmov v14  }
0x221: {  	v14 =	vld [tilespmem:s6+$0x10];
	[tilespmem:s2+$0xFFFFFFF0] =	vst v18;
	v13 =	vadd.f32 v13, v5;
	v5 =	vmov v10  }
0x222: {  	v18 =	vld [tilespmem:s5+$0x0];
	[tilespmem:s2+$0x0] =	vst v11;
	v10 =	vadd.f32 v15, v8;
	s2 =	smov.u32 s6  }
0x223: {  	v15 =	vld [tilespmem:s5+$0xFFFFFFE0];
	[tilespmem:s1+$0xFFFFFFE0] =	vst v12;
	v12 =	vadd.f32 v16, v6;
	v6 =	vmov v9  }
0x224: {  	v16 =	vld [tilespmem:s6+$0xFFFFFFE0];
	v9 =	vadd.f32 $1.000000000e+00, v20;
	[tilespmem:s3+$0x10] =	vst v10;
	v8 =	vmov v20  }
0x225: {  	v20 =	vld [tilespmem:s6+$0xFFFFFFF0];
	v21 =	vadd.f32 $1.000000000e+00, v17;
	v10 =	vmul.f32 v17, v17;
	[tilespmem:s1+$0xFFFFFFF0] =	vst v13  }
.Ltmp16:
0x226: {  	v11 =	vld [tilespmem:s6+$0x0];
	v13 =	vadd.f32 v9, v14;
	[tilespmem:s1+$0x0] =	vst v12;
	s1 =	smov.u32 s3;
	(pc) =	sbr.rel @p0 .LBB2_21-.Ltmp16, $4  }
0x227: {  	v17 =	vadd.f32 $1.000000000e+00, v18;
	v9 =	vmul.f32 v18, v18;
	v12 =	vld [tilespmem:s3+$0xFFFFFFE0]  }
0x228: {  	s3 =	sadd.s32 $0x40, s3;
	v18 =	vadd.f32 $1.000000000e+00, v15;
	v14 =	vmul.f32 v15, v15;
	[tilespmem:s6+$0x10] =	vst v13;
	v13 =	vld [tilespmem:s1+$0xFFFFFFF0]  }
0x229: {  	v15 =	vld [tilespmem:s3+$0x10]  }
0x22a: {  	s5 =	sadd.s32 $0x40, s5;
	v19 =	vadd.f32 v18, v16;
	v18 =	vadd.f32 v21, v20;
	v16 =	vld [tilespmem:s1+$0x0]  }
0x22b: {  	_ = 	snop  }
0x22c: {  	v11 =	vadd.f32 v17, v11;
	[tilespmem:s2+$0xFFFFFFE0] =	vst v19  }
0x22d: {  	[tilespmem:s2+$0xFFFFFFF0] =	vst v18;
	v61 =	vld [tilespmem:s3+$0xFFFFFFE0]  }
0x22e: {  	v8 =	vmul.f32 v8, v8;
	v7 =	vadd.f32 v12, v7;
	[tilespmem:s2+$0x0] =	vst v11;
	v62 =	vld [tilespmem:s3+$0xFFFFFFF0]  }
0x22f: {  	v5 =	vadd.f32 v13, v5;
	v63 =	vld [tilespmem:s3+$0x0]  }
0x230: {  	v8 =	vadd.f32 v15, v8;
	[tilespmem:s1+$0xFFFFFFE0] =	vst v7  }
0x231: {  	v6 =	vadd.f32 v16, v6;
	[tilespmem:s1+$0xFFFFFFF0] =	vst v5  }
0x232: {  	[tilespmem:s3+$0x10] =	vst v8;
	v5 =	vadd.f32 v61, v14  }
0x233: {  	[tilespmem:s1+$0x0] =	vst v6;
	v6 =	vadd.f32 v62, v10  }
0x234: {  	[tilespmem:s3+$0xFFFFFFE0] =	vst v5;
	v5 =	vadd.f32 v63, v9  }
.Ltmp17:
0x235: {  	[tilespmem:s3+$0xFFFFFFF0] =	vst v6;
	(pc) =	sbr.rel .LBB2_23-.Ltmp17, $4  }
0x236: {  	[tilespmem:s3+$0x0] =	vst v5  }
0x237: {  	[hbm4b:s12+s17] =	stream.indirect.scatter [tilespmem:s23], [sflag:$0x4], $0x80, s22, s17, $0xb8;
	[tilespmem:$0x1CF80] =	vst v63  }
0x238: {  	_ = 	snop  }
0x239: {  	[hbm4b:s12+s17] =	stream.indirect.scatter [tilespmem:s28], [sflag:$0x4], $0x80, s24, s17, $0xb8;
	[tilespmem:$0x1CF80] =	vst v63  }
.LBB2_25:
0x23a: {  	_ =	swait.ge [sflag:s0], $0x2000  }
.Ltmp18:
0x23b: {  	[sflag:s0] =	ssyncset.done $0x0;
	(pc) =	sbr.rel .LBB2_26-.Ltmp18, $4  }
0x23c: {  	[sflag:s0] =	ssyncadd.s32 $0xFFFFE000  }
0x23d: {  	_ =	swait.ge [sflag:s0], $0x2000  }
0x23e: {  	[sflag:s0] =	ssyncset.done $0x0  }
0x23f: {  	[sflag:s0] =	ssyncadd.s32 $0xFFFFE000  }
.LBB2_27:
0x240: {  	_ =	sfence.sel $0x180000  }
0x241: {  	[bflag:$0x0] =	sbarrier.arrive $0xFFFF  }
0x242: {  	_ =	strace $0x90000047  }
0x243: {  	s0 =	stileid.u32;
	[bflag:$0x2] =	sbarrier.arrive $0xFFFF  }
0x244: {  	p0 =	sne.s32 s0, $0x0;
	s0 =	rddreg [dreg:$0x5]  }
0x245: {  	s0 =	sadd.s32 @!p0 $0x100000, s0  }
0x246: {  	[sflag:s0] =	ssyncadd.tile.s32 @!p0 $0x1;
	_ =	shalt  }
.Lfunc_end2:
_tile_overlayer_lowered:
.L_overlay_start_2:
0x247: {  	(tag) =	ssettag $0x2  }
0x248: {  	s0 =	rddreg [dreg:$0x0];
	s2 =	stileid.u32  }
0x249: {  	s1 =	rddreg [dreg:$0x1];
	p0 =	sne.s32 s2, $0x0  }
0x24a: {  	s3 =	rddreg [dreg:$0x2];
	[bflag:$0x3] =	sbarrier.arrive $0xFFFF;
	s2 =	simm.s32 @!p0 $0x1C05  }
0x24b: {  	[timem:s3], [sflag:s2] =	dma.local @!p0 [hbm:s0], s1  }
0x24c: {  	s0 =	simm.s32 @!p0 $0x5  }
0x24d: {  	_ =	swait.ge @!p0 [sflag:s0], s1  }
0x24e: {  	s1 =	ssub.s32 @!p0 $0x0, s1;
	[sflag:s0] =	ssyncset.done @!p0 $0x0  }
0x24f: {  	[sflag:s0] =	ssyncadd.s32 @!p0 s1  }
0x250: {  	[bflag:$0x3] =	sbarrier.arrive $0xFFFF  }
0x251: {  	_ =	shalt  }

</sc_bundles>
